<compile_context>
chip_gen: v7x
topology: tpu7x:2x2x1
jax: 0.10.2.dev20260603
libtpu: 0.0.44.dev20260713+nightly
codegen_flags: <defaults>
</compile_context>

<pallas_src>
import functools

import jax
import jax.numpy as jnp
from jax import lax
from jax.experimental import pallas as pl
from jax.experimental.pallas import tpu as pltpu
from jax.experimental.pallas import tpu_sc as plsc

_NCORE = 2
_NSUB = 16
_NW = _NCORE * _NSUB
_LANES = 16
_CHUNK = 3200


def _build_sc_call(n_nodes, n_feat, n_chunks, n_layers):
    cols_pw = n_feat // _NW
    n_pairs = cols_pw // 2
    flat = cols_pw * n_nodes
    n_grp = _CHUNK // _LANES
    n_ngrp = n_nodes // _LANES

    def body(xt_hbm, ed_hbm, out_hbm, hwa, hwb, acc, hp, eb0, eb1, se0, se1):
        wid = lax.axis_index("c") * _NSUB + lax.axis_index("s")
        pltpu.sync_copy(xt_hbm.at[wid], acc)

        zeros16 = jnp.zeros((_LANES,), jnp.float32)

        def pack_zero(i, add_acc, zero):
            o = i * _LANES
            vals = []
            for c in range(cols_pw):
                oc = c * n_nodes + o
                if add_acc:
                    ref = hwa if c % 2 == 0 else hwb
                    v = ref[pl.ds((c // 2) * n_nodes + o, _LANES)]
                    acc[pl.ds(oc, _LANES)] = acc[pl.ds(oc, _LANES)] + v
                else:
                    v = acc[pl.ds(oc, _LANES)]
                vals.append(v)
            for p in range(n_pairs):
                pk = plsc.pack(vals[2 * p], vals[2 * p + 1],
                               format=plsc.PackFormat.INTERLEAVED)
                hp[pl.ds(p * n_nodes + o, _LANES)] = plsc.bitcast(pk, jnp.int32)
            if zero:
                for p in range(n_pairs):
                    hwa[pl.ds(p * n_nodes + o, _LANES)] = zeros16
                    hwb[pl.ds(p * n_nodes + o, _LANES)] = zeros16

        @plsc.parallel_loop(0, n_ngrp, unroll=2)
        def _init(i):
            pack_zero(i, add_acc=False, zero=True)

        stag = (wid * max(1, n_chunks // _NW)) % n_chunks

        bufs = ((eb0, se0), (eb1, se1))

        def start(ci, b):
            eb, se = bufs[b]
            ch = lax.rem(ci + stag, n_chunks)
            pltpu.async_copy(ed_hbm.at[ch], eb, se)

        def wait(b):
            eb, se = bufs[b]
            pltpu.make_async_copy(ed_hbm.at[0], eb, se).wait()

        def compute(b, target):
            eb, _ = bufs[b]

            @plsc.parallel_loop(0, n_grp, unroll=4)
            def _grp(g):
                o = g * _LANES
                packed = eb[pl.ds(o, _LANES)]
                srcv = packed & 0xFFFF
                dstv = lax.shift_right_logical(packed, 16)
                wv = plsc.bitcast(eb[pl.ds(_CHUNK + o, _LANES)], jnp.float32)
                for p in range(n_pairs):
                    ga = srcv + (p * n_nodes) if p else srcv
                    pk = plsc.load_gather(hp, [ga])
                    a, bv = plsc.unpack(plsc.bitcast(pk, jnp.bfloat16),
                                        format=plsc.PackFormat.INTERLEAVED)
                    if target is None:
                        sa = dstv + (p * n_nodes) if p else dstv
                        plsc.addupdate_scatter(hwa, [sa], a * wv)
                        plsc.addupdate_scatter(hwb, [sa], bv * wv)
                    else:
                        c0 = 2 * p
                        sa = dstv + (c0 * n_nodes) if c0 else dstv
                        plsc.addupdate_scatter(target, [sa], a * wv)
                        plsc.addupdate_scatter(
                            target, [dstv + (c0 + 1) * n_nodes], bv * wv)

        start(0, 0)
        for l in range(n_layers):
            target = None if l + 1 < n_layers else acc

            def pair(p, carry, target=target):
                i0 = p * 2
                wait(0)
                start(i0 + 1, 1)
                compute(0, target)
                wait(1)
                start(i0 + 2, 0)
                compute(1, target)
                return carry

            lax.fori_loop(0, n_chunks // 2, pair, 0)
            if l + 1 < n_layers:
                @plsc.parallel_loop(0, n_ngrp, unroll=2)
                def _mz(i, zero=(l + 2 < n_layers)):
                    pack_zero(i, add_acc=True, zero=zero)

        wait(0)
        pltpu.sync_copy(acc, out_hbm.at[wid])

    return pl.kernel(
        body,
        out_type=jax.ShapeDtypeStruct((_NW, flat), jnp.float32),
        mesh=plsc.VectorSubcoreMesh(core_axis_name="c", subcore_axis_name="s"),
        compiler_params=pltpu.CompilerParams(needs_layout_passes=False),
        scratch_types=[
            pltpu.VMEM((flat // 2,), jnp.float32),
            pltpu.VMEM((flat // 2,), jnp.float32),
            pltpu.VMEM((flat,), jnp.float32),
            pltpu.VMEM(((flat // 2),), jnp.int32),
            pltpu.VMEM((2 * _CHUNK,), jnp.int32),
            pltpu.VMEM((2 * _CHUNK,), jnp.int32),
            pltpu.SemaphoreType.DMA,
            pltpu.SemaphoreType.DMA,
        ],
    )


def kernel(x, edge_index, edge_weight):
    n_nodes, n_feat = x.shape
    n_edges = edge_weight.shape[0]
    n_layers = 3

    src = edge_index[0]
    dst = edge_index[1]
    w = edge_weight
    pad = (-n_edges) % (2 * _CHUNK)
    if pad:
        src = jnp.concatenate([src, jnp.zeros((pad,), src.dtype)])
        dst = jnp.concatenate(
            [dst, (jnp.arange(pad, dtype=dst.dtype) % n_nodes)])
        w = jnp.concatenate([w, jnp.zeros((pad,), w.dtype)])
    n_chunks = (n_edges + pad) // _CHUNK

    packed = src | (dst << 16)
    wbits = lax.bitcast_convert_type(w, jnp.int32)
    ed = jnp.concatenate(
        [packed.reshape(n_chunks, _CHUNK), wbits.reshape(n_chunks, _CHUNK)],
        axis=1,
    )
    xt = x.T.reshape(_NW, (n_feat // _NW) * n_nodes)

    call = _build_sc_call(n_nodes, n_feat, n_chunks, n_layers)
    out_t = call(xt, ed)
    return out_t.reshape(n_feat, n_nodes).T

# --- scband reference (transcript-rebuilt; emitter-appended) ---
"""Pipeline reference for scband-diff-mm-52493090292396 (READ-ONLY COPY).

The authoritative reference and input builder live on the scoring server;
editing this copy changes nothing except your own understanding.
"""

import jax, jax.numpy as jnp
import numpy as np

N_NODES = 10000
N_EDGES = 320000
D_FEAT = 128
N_LAYERS = 3

def setup_inputs(seed: int = 0) -> dict:
    key = jax.random.key(seed)
    k1, k2, k3 = jax.random.split(key, 3)
    x = jax.random.normal(k1, (N_NODES, D_FEAT), dtype=jnp.float32)
    edge_index = jax.random.randint(k2, (2, N_EDGES), 0, N_NODES, dtype=jnp.int32)
    # normalized-adjacency-style edge weights (scaled ~1/avg_degree for stability)
    edge_weight = jax.random.uniform(k3, (N_EDGES,), dtype=jnp.float32) * (1.0 / 32.0)
    return {"x": x, "edge_index": edge_index, "edge_weight": edge_weight}

def reference(x, edge_index, edge_weight):
    # DiffMM / LightGCN-style propagation: stacked GCNLayer spmm(adj, embeds),
    # summing the per-layer embeddings (mainEmbeds = sum(embedsLst)).
    src = edge_index[0]
    dst = edge_index[1]
    h = x
    out = x
    for _ in range(N_LAYERS):
        msgs = jnp.take(h, src, axis=0) * edge_weight[:, None]  # gather
        h = jax.ops.segment_sum(msgs, dst, num_segments=N_NODES)  # scatter-add (spmm)
        out = out + h
    return out

if __name__ == "__main__":
    import jax
    _d = setup_inputs()
    print(jax.jit(kernel)(*tuple(_d.values())))

</pallas_src>

<mosaic_0001>
#map = affine_map<(d0, d1) -> (0, 0)>
module attributes {stable_mosaic.version = 14 : i64} {
  func.func @body(%arg0: i32, %arg1: i32, %arg2: memref<32x40000xf32, #tpu.memory_space<hbm>>, %arg3: memref<100x6400xi32, #tpu.memory_space<hbm>>, %arg4: memref<32x40000xf32, #tpu.memory_space<hbm>>, %arg5: memref<20000xf32, #tpu.memory_space<vmem>>, %arg6: memref<20000xf32, #tpu.memory_space<vmem>>, %arg7: memref<40000xf32, #tpu.memory_space<vmem>>, %arg8: memref<20000xi32, #tpu.memory_space<vmem>>, %arg9: memref<6400xi32, #tpu.memory_space<vmem>>, %arg10: memref<6400xi32, #tpu.memory_space<vmem>>, %arg11: memref<!tpu.dma_semaphore, #tpu.memory_space<semaphore_mem>>, %arg12: memref<!tpu.dma_semaphore, #tpu.memory_space<semaphore_mem>>) attributes {dimension_semantics = [#tpu.dimension_semantics<core_parallel>, #tpu.dimension_semantics<subcore_parallel>], iteration_bounds = array<i64: 2, 16>, scalar_prefetch = 0 : i64, scratch_operands = 8 : i64, tpu.core_type = #tpu.core_type<sc_vector_subcore>, window_params = [{transform_indices = #map}, {transform_indices = #map}, {transform_indices = #map}]} {
    %mul3A = arith.constant 16 : i32
    %mul3A_0 = arith.muli %arg0, %mul3A : i32
    %add3A = arith.addi %mul3A_0, %arg1 : i32
    "tpu.region"() ({
      %run_scoped3A = tpu.sem_alloc : memref<!tpu.dma_semaphore, #tpu.memory_space<semaphore_mem>>
      %dma_start3A_53 = arith.constant 0 : i32
      %dma_start3A_54 = tpu.memref_slice %arg2[%add3A, %dma_start3A_53] : memref<32x40000xf32, #tpu.memory_space<hbm>> -> memref<1x40000xf32, #tpu.memory_space<hbm>>
      %dma_start3A_55 = tpu.memref_squeeze %dma_start3A_54 : memref<1x40000xf32, #tpu.memory_space<hbm>> -> memref<40000xf32, #tpu.memory_space<hbm>>
      %dma_start3A_56 = arith.constant 0 : i32
      %dma_start3A_57 = tpu.memref_slice %arg2[%add3A, %dma_start3A_56] : memref<32x40000xf32, #tpu.memory_space<hbm>> -> memref<1x40000xf32, #tpu.memory_space<hbm>>
      %dma_start3A_58 = tpu.memref_squeeze %dma_start3A_57 : memref<1x40000xf32, #tpu.memory_space<hbm>> -> memref<40000xf32, #tpu.memory_space<hbm>>
      tpu.enqueue_dma source(%dma_start3A_58 : memref<40000xf32, #tpu.memory_space<hbm>>) target(%arg7 : memref<40000xf32, #tpu.memory_space<vmem>>) target_semaphore(%run_scoped3A : memref<!tpu.dma_semaphore, #tpu.memory_space<semaphore_mem>>)
      %dma_wait3A_59 = arith.constant 0 : i32
      %dma_wait3A_60 = tpu.memref_slice %arg2[%add3A, %dma_wait3A_59] : memref<32x40000xf32, #tpu.memory_space<hbm>> -> memref<1x40000xf32, #tpu.memory_space<hbm>>
      %dma_wait3A_61 = tpu.memref_squeeze %dma_wait3A_60 : memref<1x40000xf32, #tpu.memory_space<hbm>> -> memref<40000xf32, #tpu.memory_space<hbm>>
      %dma_wait3A_62 = arith.constant 0 : i32
      %dma_wait3A_63 = tpu.memref_slice %arg2[%add3A, %dma_wait3A_62] : memref<32x40000xf32, #tpu.memory_space<hbm>> -> memref<1x40000xf32, #tpu.memory_space<hbm>>
      %dma_wait3A_64 = tpu.memref_squeeze %dma_wait3A_63 : memref<1x40000xf32, #tpu.memory_space<hbm>> -> memref<40000xf32, #tpu.memory_space<hbm>>
      tpu.wait_dma2 semaphore(%run_scoped3A : memref<!tpu.dma_semaphore, #tpu.memory_space<semaphore_mem>>) src(%dma_wait3A_64 : memref<40000xf32, #tpu.memory_space<hbm>>) dst(%arg7 : memref<40000xf32, #tpu.memory_space<vmem>>)
      tpu.yield
    }) : () -> ()
    %broadcast_in_dim3A = arith.constant 0.000000e+00 : f32
    %broadcast_in_dim3A_1 = vector.broadcast %broadcast_in_dim3A : f32 to vector<16xf32>
    %parallel_loop3A = arith.constant 0 : i32
    %parallel_loop3A_2 = arith.constant 625 : i32
    %parallel_loop3A_3 = arith.constant 1 : i32
    scf.for %parallel_loop3A_53 = %parallel_loop3A to %parallel_loop3A_2 step %parallel_loop3A_3  : i32 {
      %parallel_loop3A_54 = arith.constant 16 : i32
      %parallel_loop3A_55 = arith.muli %parallel_loop3A_53, %parallel_loop3A_54 : i32
      %parallel_loop3A_56 = arith.constant 0 : i32
      %parallel_loop3A_57 = arith.addi %parallel_loop3A_56, %parallel_loop3A_55 : i32
      %parallel_loop3A_58 = arith.index_cast %parallel_loop3A_57 : i32 to index
      %parallel_loop3A_59 = tpu.vector_load %arg7[%parallel_loop3A_58] {strides = array<i32>} : memref<40000xf32, #tpu.memory_space<vmem>>, vector<16xf32>,
      %parallel_loop3A_60 = arith.constant 10000 : i32
      %parallel_loop3A_61 = arith.addi %parallel_loop3A_60, %parallel_loop3A_55 : i32
      %parallel_loop3A_62 = arith.index_cast %parallel_loop3A_61 : i32 to index
      %parallel_loop3A_63 = tpu.vector_load %arg7[%parallel_loop3A_62] {strides = array<i32>} : memref<40000xf32, #tpu.memory_space<vmem>>, vector<16xf32>,
      %parallel_loop3A_64 = arith.constant 20000 : i32
      %parallel_loop3A_65 = arith.addi %parallel_loop3A_64, %parallel_loop3A_55 : i32
      %parallel_loop3A_66 = arith.index_cast %parallel_loop3A_65 : i32 to index
      %parallel_loop3A_67 = tpu.vector_load %arg7[%parallel_loop3A_66] {strides = array<i32>} : memref<40000xf32, #tpu.memory_space<vmem>>, vector<16xf32>,
      %parallel_loop3A_68 = arith.constant 30000 : i32
      %parallel_loop3A_69 = arith.addi %parallel_loop3A_68, %parallel_loop3A_55 : i32
      %parallel_loop3A_70 = arith.index_cast %parallel_loop3A_69 : i32 to index
      %parallel_loop3A_71 = tpu.vector_load %arg7[%parallel_loop3A_70] {strides = array<i32>} : memref<40000xf32, #tpu.memory_space<vmem>>, vector<16xf32>,
      %parallel_loop3A_72 = tpu.pack_subelements %parallel_loop3A_59, %parallel_loop3A_63 {pack_format = #tpu.pack_format<interleaved>, positions = array<i32: 0, 1>} : vector<16xf32>, vector<16xf32> -> vector<32xbf16>
      %parallel_loop3A_73 = vector.bitcast %parallel_loop3A_72 : vector<32xbf16> to vector<16xi32>
      %parallel_loop3A_74 = arith.constant 0 : i32
      %parallel_loop3A_75 = arith.addi %parallel_loop3A_74, %parallel_loop3A_55 : i32
      %parallel_loop3A_76 = arith.index_cast %parallel_loop3A_75 : i32 to index
      %parallel_loop3A_77 = tpu.vector_load %arg8[%parallel_loop3A_76] {strides = array<i32>} : memref<20000xi32, #tpu.memory_space<vmem>>, vector<16xi32>,
      tpu.vector_store %arg8[%parallel_loop3A_76], %parallel_loop3A_73 {strides = array<i32>} : memref<20000xi32, #tpu.memory_space<vmem>>, vector<16xi32>,
      %parallel_loop3A_78 = tpu.pack_subelements %parallel_loop3A_67, %parallel_loop3A_71 {pack_format = #tpu.pack_format<interleaved>, positions = array<i32: 0, 1>} : vector<16xf32>, vector<16xf32> -> vector<32xbf16>
      %parallel_loop3A_79 = vector.bitcast %parallel_loop3A_78 : vector<32xbf16> to vector<16xi32>
      %parallel_loop3A_80 = arith.constant 10000 : i32
      %parallel_loop3A_81 = arith.addi %parallel_loop3A_80, %parallel_loop3A_55 : i32
      %parallel_loop3A_82 = arith.index_cast %parallel_loop3A_81 : i32 to index
      %parallel_loop3A_83 = tpu.vector_load %arg8[%parallel_loop3A_82] {strides = array<i32>} : memref<20000xi32, #tpu.memory_space<vmem>>, vector<16xi32>,
      tpu.vector_store %arg8[%parallel_loop3A_82], %parallel_loop3A_79 {strides = array<i32>} : memref<20000xi32, #tpu.memory_space<vmem>>, vector<16xi32>,
      %parallel_loop3A_84 = arith.constant 0 : i32
      %parallel_loop3A_85 = arith.addi %parallel_loop3A_84, %parallel_loop3A_55 : i32
      %parallel_loop3A_86 = arith.index_cast %parallel_loop3A_85 : i32 to index
      %parallel_loop3A_87 = tpu.vector_load %arg5[%parallel_loop3A_86] {strides = array<i32>} : memref<20000xf32, #tpu.memory_space<vmem>>, vector<16xf32>,
      tpu.vector_store %arg5[%parallel_loop3A_86], %broadcast_in_dim3A_1 {strides = array<i32>} : memref<20000xf32, #tpu.memory_space<vmem>>, vector<16xf32>,
      %parallel_loop3A_88 = arith.constant 0 : i32
      %parallel_loop3A_89 = arith.addi %parallel_loop3A_88, %parallel_loop3A_55 : i32
      %parallel_loop3A_90 = arith.index_cast %parallel_loop3A_89 : i32 to index
      %parallel_loop3A_91 = tpu.vector_load %arg6[%parallel_loop3A_90] {strides = array<i32>} : memref<20000xf32, #tpu.memory_space<vmem>>, vector<16xf32>,
      tpu.vector_store %arg6[%parallel_loop3A_90], %broadcast_in_dim3A_1 {strides = array<i32>} : memref<20000xf32, #tpu.memory_space<vmem>>, vector<16xf32>,
      %parallel_loop3A_92 = arith.constant 10000 : i32
      %parallel_loop3A_93 = arith.addi %parallel_loop3A_92, %parallel_loop3A_55 : i32
      %parallel_loop3A_94 = arith.index_cast %parallel_loop3A_93 : i32 to index
      %parallel_loop3A_95 = tpu.vector_load %arg5[%parallel_loop3A_94] {strides = array<i32>} : memref<20000xf32, #tpu.memory_space<vmem>>, vector<16xf32>,
      tpu.vector_store %arg5[%parallel_loop3A_94], %broadcast_in_dim3A_1 {strides = array<i32>} : memref<20000xf32, #tpu.memory_space<vmem>>, vector<16xf32>,
      %parallel_loop3A_96 = arith.constant 10000 : i32
      %parallel_loop3A_97 = arith.addi %parallel_loop3A_96, %parallel_loop3A_55 : i32
      %parallel_loop3A_98 = arith.index_cast %parallel_loop3A_97 : i32 to index
      %parallel_loop3A_99 = tpu.vector_load %arg6[%parallel_loop3A_98] {strides = array<i32>} : memref<20000xf32, #tpu.memory_space<vmem>>, vector<16xf32>,
      tpu.vector_store %arg6[%parallel_loop3A_98], %broadcast_in_dim3A_1 {strides = array<i32>} : memref<20000xf32, #tpu.memory_space<vmem>>, vector<16xf32>,
    } {sc.loop_unroll_factor = 2 : i64, sc.parallel_access}
    %mul3A_4 = arith.constant 3 : i32
    %mul3A_5 = arith.muli %add3A, %mul3A_4 : i32
    %jit3A = arith.constant 100 : i32
    %eq3A = arith.constant 0 : i32
    %eq3A_6 = arith.cmpi eq, %jit3A, %eq3A : i32
    %jit3A_7 = arith.constant 1 : i32
    %select_n3A = arith.select %eq3A_6, %jit3A_7, %jit3A : i32
    %rem3A = arith.remsi %mul3A_5, %select_n3A : i32
    %ne3A = arith.constant 0 : i32
    %ne3A_8 = arith.cmpi ne, %rem3A, %ne3A : i32
    %lt3A = arith.constant 0 : i32
    %lt3A_9 = arith.cmpi slt, %rem3A, %lt3A : i32
    %lt3A_10 = arith.constant 0 : i32
    %lt3A_11 = arith.cmpi slt, %select_n3A, %lt3A_10 : i32
    %ne3A_12 = arith.xori %lt3A_9, %lt3A_11 : i1
    %and3A = arith.andi %ne3A_12, %ne3A_8 : i1
    %add3A_13 = arith.addi %rem3A, %select_n3A : i32
    %select_n3A_14 = arith.select %and3A, %add3A_13, %rem3A : i32
    %add3A_15 = arith.constant 0 : i32
    %add3A_16 = arith.addi %add3A_15, %select_n3A_14 : i32
    %rem3A_17 = arith.constant 100 : i32
    %rem3A_18 = arith.remsi %add3A_16, %rem3A_17 : i32
    %dma_start3A = arith.constant 0 : i32
    %dma_start3A_19 = tpu.memref_slice %arg3[%rem3A_18, %dma_start3A] : memref<100x6400xi32, #tpu.memory_space<hbm>> -> memref<1x6400xi32, #tpu.memory_space<hbm>>
    %dma_start3A_20 = tpu.memref_squeeze %dma_start3A_19 : memref<1x6400xi32, #tpu.memory_space<hbm>> -> memref<6400xi32, #tpu.memory_space<hbm>>
    %dma_start3A_21 = arith.constant 0 : i32
    %dma_start3A_22 = tpu.memref_slice %arg3[%rem3A_18, %dma_start3A_21] : memref<100x6400xi32, #tpu.memory_space<hbm>> -> memref<1x6400xi32, #tpu.memory_space<hbm>>
    %dma_start3A_23 = tpu.memref_squeeze %dma_start3A_22 : memref<1x6400xi32, #tpu.memory_space<hbm>> -> memref<6400xi32, #tpu.memory_space<hbm>>
    tpu.enqueue_dma source(%dma_start3A_23 : memref<6400xi32, #tpu.memory_space<hbm>>) target(%arg9 : memref<6400xi32, #tpu.memory_space<vmem>>) target_semaphore(%arg11 : memref<!tpu.dma_semaphore, #tpu.memory_space<semaphore_mem>>)
    %scan3A = arith.constant 0 : i32
    %scan3A_24 = arith.constant 0 : i32
    %scan3A_25 = arith.constant 50 : i32
    %scan3A_26 = arith.addi %scan3A_24, %scan3A_25 : i32
    %scan3A_27 = arith.constant 1 : i32
    scf.for %scan3A_53 = %scan3A_24 to %scan3A_26 step %scan3A_27  : i32 {
      %mul3A_54 = arith.constant 2 : i32
      %mul3A_55 = arith.muli %scan3A_53, %mul3A_54 : i32
      %dma_wait3A_56 = arith.constant 0 : i32
      %dma_wait3A_57 = arith.constant 0 : i32
      %dma_wait3A_58 = tpu.memref_slice %arg3[%dma_wait3A_56, %dma_wait3A_57] : memref<100x6400xi32, #tpu.memory_space<hbm>> -> memref<1x6400xi32, #tpu.memory_space<hbm>>
      %dma_wait3A_59 = tpu.memref_squeeze %dma_wait3A_58 : memref<1x6400xi32, #tpu.memory_space<hbm>> -> memref<6400xi32, #tpu.memory_space<hbm>>
      %dma_wait3A_60 = arith.constant 0 : i32
      %dma_wait3A_61 = tpu.memref_slice %arg3[%dma_wait3A_56, %dma_wait3A_60] : memref<100x6400xi32, #tpu.memory_space<hbm>> -> memref<1x6400xi32, #tpu.memory_space<hbm>>
      %dma_wait3A_62 = tpu.memref_squeeze %dma_wait3A_61 : memref<1x6400xi32, #tpu.memory_space<hbm>> -> memref<6400xi32, #tpu.memory_space<hbm>>
      tpu.wait_dma2 semaphore(%arg11 : memref<!tpu.dma_semaphore, #tpu.memory_space<semaphore_mem>>) src(%dma_wait3A_62 : memref<6400xi32, #tpu.memory_space<hbm>>) dst(%arg9 : memref<6400xi32, #tpu.memory_space<vmem>>)
      %add3A_63 = arith.constant 1 : i32
      %add3A_64 = arith.addi %mul3A_55, %add3A_63 : i32
      %add3A_65 = arith.addi %add3A_64, %select_n3A_14 : i32
      %rem3A_66 = arith.constant 100 : i32
      %rem3A_67 = arith.remsi %add3A_65, %rem3A_66 : i32
      %dma_start3A_68 = arith.constant 0 : i32
      %dma_start3A_69 = tpu.memref_slice %arg3[%rem3A_67, %dma_start3A_68] : memref<100x6400xi32, #tpu.memory_space<hbm>> -> memref<1x6400xi32, #tpu.memory_space<hbm>>
      %dma_start3A_70 = tpu.memref_squeeze %dma_start3A_69 : memref<1x6400xi32, #tpu.memory_space<hbm>> -> memref<6400xi32, #tpu.memory_space<hbm>>
      %dma_start3A_71 = arith.constant 0 : i32
      %dma_start3A_72 = tpu.memref_slice %arg3[%rem3A_67, %dma_start3A_71] : memref<100x6400xi32, #tpu.memory_space<hbm>> -> memref<1x6400xi32, #tpu.memory_space<hbm>>
      %dma_start3A_73 = tpu.memref_squeeze %dma_start3A_72 : memref<1x6400xi32, #tpu.memory_space<hbm>> -> memref<6400xi32, #tpu.memory_space<hbm>>
      tpu.enqueue_dma source(%dma_start3A_73 : memref<6400xi32, #tpu.memory_space<hbm>>) target(%arg10 : memref<6400xi32, #tpu.memory_space<vmem>>) target_semaphore(%arg12 : memref<!tpu.dma_semaphore, #tpu.memory_space<semaphore_mem>>)
      %parallel_loop3A_74 = arith.constant 0 : i32
      %parallel_loop3A_75 = arith.constant 200 : i32
      %parallel_loop3A_76 = arith.constant 1 : i32
      scf.for %parallel_loop3A_98 = %parallel_loop3A_74 to %parallel_loop3A_75 step %parallel_loop3A_76  : i32 {
        %parallel_loop3A_99 = arith.constant 16 : i32
        %parallel_loop3A_100 = arith.muli %parallel_loop3A_98, %parallel_loop3A_99 : i32
        %parallel_loop3A_101 = arith.index_cast %parallel_loop3A_100 : i32 to index
        %parallel_loop3A_102 = tpu.vector_load %arg9[%parallel_loop3A_101] {strides = array<i32>} : memref<6400xi32, #tpu.memory_space<vmem>>, vector<16xi32>,
        %parallel_loop3A_103 = arith.constant 65535 : i32
        %parallel_loop3A_104 = vector.broadcast %parallel_loop3A_103 : i32 to vector<16xi32>
        %parallel_loop3A_105 = arith.andi %parallel_loop3A_102, %parallel_loop3A_104 : vector<16xi32>
        %parallel_loop3A_106 = arith.constant 16 : i32
        %parallel_loop3A_107 = vector.broadcast %parallel_loop3A_106 : i32 to vector<16xi32>
        %parallel_loop3A_108 = arith.shrui %parallel_loop3A_102, %parallel_loop3A_107 : vector<16xi32>
        %parallel_loop3A_109 = arith.constant 3200 : i32
        %parallel_loop3A_110 = arith.addi %parallel_loop3A_109, %parallel_loop3A_100 : i32
        %parallel_loop3A_111 = arith.index_cast %parallel_loop3A_110 : i32 to index
        %parallel_loop3A_112 = tpu.vector_load %arg9[%parallel_loop3A_111] {strides = array<i32>} : memref<6400xi32, #tpu.memory_space<vmem>>, vector<16xi32>,
        %parallel_loop3A_113 = vector.bitcast %parallel_loop3A_112 : vector<16xi32> to vector<16xf32>
        %parallel_loop3A_114 = tpu.vector_load_idx %arg8[%parallel_loop3A_105] : memref<20000xi32, #tpu.memory_space<vmem>>[vector<16xi32>], vector<16xi32>,
        %parallel_loop3A_115 = vector.bitcast %parallel_loop3A_114 : vector<16xi32> to vector<32xbf16>
        %parallel_loop3A_116 = tpu.unpack_subelements %parallel_loop3A_115, 0 {pack_format = #tpu.pack_format<interleaved>} : vector<32xbf16> -> vector<16xf32>
        %parallel_loop3A_117 = tpu.unpack_subelements %parallel_loop3A_115, 1 {pack_format = #tpu.pack_format<interleaved>} : vector<32xbf16> -> vector<16xf32>
        %parallel_loop3A_118 = arith.mulf %parallel_loop3A_116, %parallel_loop3A_113 : vector<16xf32>
        tpu.vector_store_idx %arg5[%parallel_loop3A_108], %parallel_loop3A_118 {add = true} : memref<20000xf32, #tpu.memory_space<vmem>>[vector<16xi32>], vector<16xf32>,
        %parallel_loop3A_119 = arith.mulf %parallel_loop3A_117, %parallel_loop3A_113 : vector<16xf32>
        tpu.vector_store_idx %arg6[%parallel_loop3A_108], %parallel_loop3A_119 {add = true} : memref<20000xf32, #tpu.memory_space<vmem>>[vector<16xi32>], vector<16xf32>,
        %parallel_loop3A_120 = arith.constant 10000 : i32
        %parallel_loop3A_121 = vector.broadcast %parallel_loop3A_120 : i32 to vector<16xi32>
        %parallel_loop3A_122 = arith.addi %parallel_loop3A_105, %parallel_loop3A_121 : vector<16xi32>
        %parallel_loop3A_123 = tpu.vector_load_idx %arg8[%parallel_loop3A_122] : memref<20000xi32, #tpu.memory_space<vmem>>[vector<16xi32>], vector<16xi32>,
        %parallel_loop3A_124 = vector.bitcast %parallel_loop3A_123 : vector<16xi32> to vector<32xbf16>
        %parallel_loop3A_125 = tpu.unpack_subelements %parallel_loop3A_124, 0 {pack_format = #tpu.pack_format<interleaved>} : vector<32xbf16> -> vector<16xf32>
        %parallel_loop3A_126 = tpu.unpack_subelements %parallel_loop3A_124, 1 {pack_format = #tpu.pack_format<interleaved>} : vector<32xbf16> -> vector<16xf32>
        %parallel_loop3A_127 = arith.constant 10000 : i32
        %parallel_loop3A_128 = vector.broadcast %parallel_loop3A_127 : i32 to vector<16xi32>
        %parallel_loop3A_129 = arith.addi %parallel_loop3A_108, %parallel_loop3A_128 : vector<16xi32>
        %parallel_loop3A_130 = arith.mulf %parallel_loop3A_125, %parallel_loop3A_113 : vector<16xf32>
        tpu.vector_store_idx %arg5[%parallel_loop3A_129], %parallel_loop3A_130 {add = true} : memref<20000xf32, #tpu.memory_space<vmem>>[vector<16xi32>], vector<16xf32>,
        %parallel_loop3A_131 = arith.mulf %parallel_loop3A_126, %parallel_loop3A_113 : vector<16xf32>
        tpu.vector_store_idx %arg6[%parallel_loop3A_129], %parallel_loop3A_131 {add = true} : memref<20000xf32, #tpu.memory_space<vmem>>[vector<16xi32>], vector<16xf32>,
      } {sc.loop_unroll_factor = 4 : i64, sc.parallel_access}
      %dma_wait3A_77 = arith.constant 0 : i32
      %dma_wait3A_78 = arith.constant 0 : i32
      %dma_wait3A_79 = tpu.memref_slice %arg3[%dma_wait3A_77, %dma_wait3A_78] : memref<100x6400xi32, #tpu.memory_space<hbm>> -> memref<1x6400xi32, #tpu.memory_space<hbm>>
      %dma_wait3A_80 = tpu.memref_squeeze %dma_wait3A_79 : memref<1x6400xi32, #tpu.memory_space<hbm>> -> memref<6400xi32, #tpu.memory_space<hbm>>
      %dma_wait3A_81 = arith.constant 0 : i32
      %dma_wait3A_82 = tpu.memref_slice %arg3[%dma_wait3A_77, %dma_wait3A_81] : memref<100x6400xi32, #tpu.memory_space<hbm>> -> memref<1x6400xi32, #tpu.memory_space<hbm>>
      %dma_wait3A_83 = tpu.memref_squeeze %dma_wait3A_82 : memref<1x6400xi32, #tpu.memory_space<hbm>> -> memref<6400xi32, #tpu.memory_space<hbm>>
      tpu.wait_dma2 semaphore(%arg12 : memref<!tpu.dma_semaphore, #tpu.memory_space<semaphore_mem>>) src(%dma_wait3A_83 : memref<6400xi32, #tpu.memory_space<hbm>>) dst(%arg10 : memref<6400xi32, #tpu.memory_space<vmem>>)
      %add3A_84 = arith.constant 2 : i32
      %add3A_85 = arith.addi %mul3A_55, %add3A_84 : i32
      %add3A_86 = arith.addi %add3A_85, %select_n3A_14 : i32
      %rem3A_87 = arith.constant 100 : i32
      %rem3A_88 = arith.remsi %add3A_86, %rem3A_87 : i32
      %dma_start3A_89 = arith.constant 0 : i32
      %dma_start3A_90 = tpu.memref_slice %arg3[%rem3A_88, %dma_start3A_89] : memref<100x6400xi32, #tpu.memory_space<hbm>> -> memref<1x6400xi32, #tpu.memory_space<hbm>>
      %dma_start3A_91 = tpu.memref_squeeze %dma_start3A_90 : memref<1x6400xi32, #tpu.memory_space<hbm>> -> memref<6400xi32, #tpu.memory_space<hbm>>
      %dma_start3A_92 = arith.constant 0 : i32
      %dma_start3A_93 = tpu.memref_slice %arg3[%rem3A_88, %dma_start3A_92] : memref<100x6400xi32, #tpu.memory_space<hbm>> -> memref<1x6400xi32, #tpu.memory_space<hbm>>
      %dma_start3A_94 = tpu.memref_squeeze %dma_start3A_93 : memref<1x6400xi32, #tpu.memory_space<hbm>> -> memref<6400xi32, #tpu.memory_space<hbm>>
      tpu.enqueue_dma source(%dma_start3A_94 : memref<6400xi32, #tpu.memory_space<hbm>>) target(%arg9 : memref<6400xi32, #tpu.memory_space<vmem>>) target_semaphore(%arg11 : memref<!tpu.dma_semaphore, #tpu.memory_space<semaphore_mem>>)
      %parallel_loop3A_95 = arith.constant 0 : i32
      %parallel_loop3A_96 = arith.constant 200 : i32
      %parallel_loop3A_97 = arith.constant 1 : i32
      scf.for %parallel_loop3A_98 = %parallel_loop3A_95 to %parallel_loop3A_96 step %parallel_loop3A_97  : i32 {
        %parallel_loop3A_99 = arith.constant 16 : i32
        %parallel_loop3A_100 = arith.muli %parallel_loop3A_98, %parallel_loop3A_99 : i32
        %parallel_loop3A_101 = arith.index_cast %parallel_loop3A_100 : i32 to index
        %parallel_loop3A_102 = tpu.vector_load %arg10[%parallel_loop3A_101] {strides = array<i32>} : memref<6400xi32, #tpu.memory_space<vmem>>, vector<16xi32>,
        %parallel_loop3A_103 = arith.constant 65535 : i32
        %parallel_loop3A_104 = vector.broadcast %parallel_loop3A_103 : i32 to vector<16xi32>
        %parallel_loop3A_105 = arith.andi %parallel_loop3A_102, %parallel_loop3A_104 : vector<16xi32>
        %parallel_loop3A_106 = arith.constant 16 : i32
        %parallel_loop3A_107 = vector.broadcast %parallel_loop3A_106 : i32 to vector<16xi32>
        %parallel_loop3A_108 = arith.shrui %parallel_loop3A_102, %parallel_loop3A_107 : vector<16xi32>
        %parallel_loop3A_109 = arith.constant 3200 : i32
        %parallel_loop3A_110 = arith.addi %parallel_loop3A_109, %parallel_loop3A_100 : i32
        %parallel_loop3A_111 = arith.index_cast %parallel_loop3A_110 : i32 to index
        %parallel_loop3A_112 = tpu.vector_load %arg10[%parallel_loop3A_111] {strides = array<i32>} : memref<6400xi32, #tpu.memory_space<vmem>>, vector<16xi32>,
        %parallel_loop3A_113 = vector.bitcast %parallel_loop3A_112 : vector<16xi32> to vector<16xf32>
        %parallel_loop3A_114 = tpu.vector_load_idx %arg8[%parallel_loop3A_105] : memref<20000xi32, #tpu.memory_space<vmem>>[vector<16xi32>], vector<16xi32>,
        %parallel_loop3A_115 = vector.bitcast %parallel_loop3A_114 : vector<16xi32> to vector<32xbf16>
        %parallel_loop3A_116 = tpu.unpack_subelements %parallel_loop3A_115, 0 {pack_format = #tpu.pack_format<interleaved>} : vector<32xbf16> -> vector<16xf32>
        %parallel_loop3A_117 = tpu.unpack_subelements %parallel_loop3A_115, 1 {pack_format = #tpu.pack_format<interleaved>} : vector<32xbf16> -> vector<16xf32>
        %parallel_loop3A_118 = arith.mulf %parallel_loop3A_116, %parallel_loop3A_113 : vector<16xf32>
        tpu.vector_store_idx %arg5[%parallel_loop3A_108], %parallel_loop3A_118 {add = true} : memref<20000xf32, #tpu.memory_space<vmem>>[vector<16xi32>], vector<16xf32>,
        %parallel_loop3A_119 = arith.mulf %parallel_loop3A_117, %parallel_loop3A_113 : vector<16xf32>
        tpu.vector_store_idx %arg6[%parallel_loop3A_108], %parallel_loop3A_119 {add = true} : memref<20000xf32, #tpu.memory_space<vmem>>[vector<16xi32>], vector<16xf32>,
        %parallel_loop3A_120 = arith.constant 10000 : i32
        %parallel_loop3A_121 = vector.broadcast %parallel_loop3A_120 : i32 to vector<16xi32>
        %parallel_loop3A_122 = arith.addi %parallel_loop3A_105, %parallel_loop3A_121 : vector<16xi32>
        %parallel_loop3A_123 = tpu.vector_load_idx %arg8[%parallel_loop3A_122] : memref<20000xi32, #tpu.memory_space<vmem>>[vector<16xi32>], vector<16xi32>,
        %parallel_loop3A_124 = vector.bitcast %parallel_loop3A_123 : vector<16xi32> to vector<32xbf16>
        %parallel_loop3A_125 = tpu.unpack_subelements %parallel_loop3A_124, 0 {pack_format = #tpu.pack_format<interleaved>} : vector<32xbf16> -> vector<16xf32>
        %parallel_loop3A_126 = tpu.unpack_subelements %parallel_loop3A_124, 1 {pack_format = #tpu.pack_format<interleaved>} : vector<32xbf16> -> vector<16xf32>
        %parallel_loop3A_127 = arith.constant 10000 : i32
        %parallel_loop3A_128 = vector.broadcast %parallel_loop3A_127 : i32 to vector<16xi32>
        %parallel_loop3A_129 = arith.addi %parallel_loop3A_108, %parallel_loop3A_128 : vector<16xi32>
        %parallel_loop3A_130 = arith.mulf %parallel_loop3A_125, %parallel_loop3A_113 : vector<16xf32>
        tpu.vector_store_idx %arg5[%parallel_loop3A_129], %parallel_loop3A_130 {add = true} : memref<20000xf32, #tpu.memory_space<vmem>>[vector<16xi32>], vector<16xf32>,
        %parallel_loop3A_131 = arith.mulf %parallel_loop3A_126, %parallel_loop3A_113 : vector<16xf32>
        tpu.vector_store_idx %arg6[%parallel_loop3A_129], %parallel_loop3A_131 {add = true} : memref<20000xf32, #tpu.memory_space<vmem>>[vector<16xi32>], vector<16xf32>,
      } {sc.loop_unroll_factor = 4 : i64, sc.parallel_access}
    }
    %scan3A_28 = arith.constant 50 : i32
    %parallel_loop3A_29 = arith.constant 0 : i32
    %parallel_loop3A_30 = arith.constant 625 : i32
    %parallel_loop3A_31 = arith.constant 1 : i32
    scf.for %parallel_loop3A_53 = %parallel_loop3A_29 to %parallel_loop3A_30 step %parallel_loop3A_31  : i32 {
      %parallel_loop3A_54 = arith.constant 16 : i32
      %parallel_loop3A_55 = arith.muli %parallel_loop3A_53, %parallel_loop3A_54 : i32
      %parallel_loop3A_56 = arith.constant 0 : i32
      %parallel_loop3A_57 = arith.addi %parallel_loop3A_56, %parallel_loop3A_55 : i32
      %parallel_loop3A_58 = arith.constant 0 : i32
      %parallel_loop3A_59 = arith.addi %parallel_loop3A_58, %parallel_loop3A_55 : i32
      %parallel_loop3A_60 = arith.index_cast %parallel_loop3A_59 : i32 to index
      %parallel_loop3A_61 = tpu.vector_load %arg5[%parallel_loop3A_60] {strides = array<i32>} : memref<20000xf32, #tpu.memory_space<vmem>>, vector<16xf32>,
      %parallel_loop3A_62 = arith.index_cast %parallel_loop3A_57 : i32 to index
      %parallel_loop3A_63 = tpu.vector_load %arg7[%parallel_loop3A_62] {strides = array<i32>} : memref<40000xf32, #tpu.memory_space<vmem>>, vector<16xf32>,
      %parallel_loop3A_64 = arith.addf %parallel_loop3A_63, %parallel_loop3A_61 : vector<16xf32>
      %parallel_loop3A_65 = arith.index_cast %parallel_loop3A_57 : i32 to index
      %parallel_loop3A_66 = tpu.vector_load %arg7[%parallel_loop3A_65] {strides = array<i32>} : memref<40000xf32, #tpu.memory_space<vmem>>, vector<16xf32>,
      tpu.vector_store %arg7[%parallel_loop3A_65], %parallel_loop3A_64 {strides = array<i32>} : memref<40000xf32, #tpu.memory_space<vmem>>, vector<16xf32>,
      %parallel_loop3A_67 = arith.constant 10000 : i32
      %parallel_loop3A_68 = arith.addi %parallel_loop3A_67, %parallel_loop3A_55 : i32
      %parallel_loop3A_69 = arith.constant 0 : i32
      %parallel_loop3A_70 = arith.addi %parallel_loop3A_69, %parallel_loop3A_55 : i32
      %parallel_loop3A_71 = arith.index_cast %parallel_loop3A_70 : i32 to index
      %parallel_loop3A_72 = tpu.vector_load %arg6[%parallel_loop3A_71] {strides = array<i32>} : memref<20000xf32, #tpu.memory_space<vmem>>, vector<16xf32>,
      %parallel_loop3A_73 = arith.index_cast %parallel_loop3A_68 : i32 to index
      %parallel_loop3A_74 = tpu.vector_load %arg7[%parallel_loop3A_73] {strides = array<i32>} : memref<40000xf32, #tpu.memory_space<vmem>>, vector<16xf32>,
      %parallel_loop3A_75 = arith.addf %parallel_loop3A_74, %parallel_loop3A_72 : vector<16xf32>
      %parallel_loop3A_76 = arith.index_cast %parallel_loop3A_68 : i32 to index
      %parallel_loop3A_77 = tpu.vector_load %arg7[%parallel_loop3A_76] {strides = array<i32>} : memref<40000xf32, #tpu.memory_space<vmem>>, vector<16xf32>,
      tpu.vector_store %arg7[%parallel_loop3A_76], %parallel_loop3A_75 {strides = array<i32>} : memref<40000xf32, #tpu.memory_space<vmem>>, vector<16xf32>,
      %parallel_loop3A_78 = arith.constant 20000 : i32
      %parallel_loop3A_79 = arith.addi %parallel_loop3A_78, %parallel_loop3A_55 : i32
      %parallel_loop3A_80 = arith.constant 10000 : i32
      %parallel_loop3A_81 = arith.addi %parallel_loop3A_80, %parallel_loop3A_55 : i32
      %parallel_loop3A_82 = arith.index_cast %parallel_loop3A_81 : i32 to index
      %parallel_loop3A_83 = tpu.vector_load %arg5[%parallel_loop3A_82] {strides = array<i32>} : memref<20000xf32, #tpu.memory_space<vmem>>, vector<16xf32>,
      %parallel_loop3A_84 = arith.index_cast %parallel_loop3A_79 : i32 to index
      %parallel_loop3A_85 = tpu.vector_load %arg7[%parallel_loop3A_84] {strides = array<i32>} : memref<40000xf32, #tpu.memory_space<vmem>>, vector<16xf32>,
      %parallel_loop3A_86 = arith.addf %parallel_loop3A_85, %parallel_loop3A_83 : vector<16xf32>
      %parallel_loop3A_87 = arith.index_cast %parallel_loop3A_79 : i32 to index
      %parallel_loop3A_88 = tpu.vector_load %arg7[%parallel_loop3A_87] {strides = array<i32>} : memref<40000xf32, #tpu.memory_space<vmem>>, vector<16xf32>,
      tpu.vector_store %arg7[%parallel_loop3A_87], %parallel_loop3A_86 {strides = array<i32>} : memref<40000xf32, #tpu.memory_space<vmem>>, vector<16xf32>,
      %parallel_loop3A_89 = arith.constant 30000 : i32
      %parallel_loop3A_90 = arith.addi %parallel_loop3A_89, %parallel_loop3A_55 : i32
      %parallel_loop3A_91 = arith.constant 10000 : i32
      %parallel_loop3A_92 = arith.addi %parallel_loop3A_91, %parallel_loop3A_55 : i32
      %parallel_loop3A_93 = arith.index_cast %parallel_loop3A_92 : i32 to index
      %parallel_loop3A_94 = tpu.vector_load %arg6[%parallel_loop3A_93] {strides = array<i32>} : memref<20000xf32, #tpu.memory_space<vmem>>, vector<16xf32>,
      %parallel_loop3A_95 = arith.index_cast %parallel_loop3A_90 : i32 to index
      %parallel_loop3A_96 = tpu.vector_load %arg7[%parallel_loop3A_95] {strides = array<i32>} : memref<40000xf32, #tpu.memory_space<vmem>>, vector<16xf32>,
      %parallel_loop3A_97 = arith.addf %parallel_loop3A_96, %parallel_loop3A_94 : vector<16xf32>
      %parallel_loop3A_98 = arith.index_cast %parallel_loop3A_90 : i32 to index
      %parallel_loop3A_99 = tpu.vector_load %arg7[%parallel_loop3A_98] {strides = array<i32>} : memref<40000xf32, #tpu.memory_space<vmem>>, vector<16xf32>,
      tpu.vector_store %arg7[%parallel_loop3A_98], %parallel_loop3A_97 {strides = array<i32>} : memref<40000xf32, #tpu.memory_space<vmem>>, vector<16xf32>,
      %parallel_loop3A_100 = tpu.pack_subelements %parallel_loop3A_61, %parallel_loop3A_72 {pack_format = #tpu.pack_format<interleaved>, positions = array<i32: 0, 1>} : vector<16xf32>, vector<16xf32> -> vector<32xbf16>
      %parallel_loop3A_101 = vector.bitcast %parallel_loop3A_100 : vector<32xbf16> to vector<16xi32>
      %parallel_loop3A_102 = arith.constant 0 : i32
      %parallel_loop3A_103 = arith.addi %parallel_loop3A_102, %parallel_loop3A_55 : i32
      %parallel_loop3A_104 = arith.index_cast %parallel_loop3A_103 : i32 to index
      %parallel_loop3A_105 = tpu.vector_load %arg8[%parallel_loop3A_104] {strides = array<i32>} : memref<20000xi32, #tpu.memory_space<vmem>>, vector<16xi32>,
      tpu.vector_store %arg8[%parallel_loop3A_104], %parallel_loop3A_101 {strides = array<i32>} : memref<20000xi32, #tpu.memory_space<vmem>>, vector<16xi32>,
      %parallel_loop3A_106 = tpu.pack_subelements %parallel_loop3A_83, %parallel_loop3A_94 {pack_format = #tpu.pack_format<interleaved>, positions = array<i32: 0, 1>} : vector<16xf32>, vector<16xf32> -> vector<32xbf16>
      %parallel_loop3A_107 = vector.bitcast %parallel_loop3A_106 : vector<32xbf16> to vector<16xi32>
      %parallel_loop3A_108 = arith.constant 10000 : i32
      %parallel_loop3A_109 = arith.addi %parallel_loop3A_108, %parallel_loop3A_55 : i32
      %parallel_loop3A_110 = arith.index_cast %parallel_loop3A_109 : i32 to index
      %parallel_loop3A_111 = tpu.vector_load %arg8[%parallel_loop3A_110] {strides = array<i32>} : memref<20000xi32, #tpu.memory_space<vmem>>, vector<16xi32>,
      tpu.vector_store %arg8[%parallel_loop3A_110], %parallel_loop3A_107 {strides = array<i32>} : memref<20000xi32, #tpu.memory_space<vmem>>, vector<16xi32>,
      %parallel_loop3A_112 = arith.constant 0 : i32
      %parallel_loop3A_113 = arith.addi %parallel_loop3A_112, %parallel_loop3A_55 : i32
      %parallel_loop3A_114 = arith.index_cast %parallel_loop3A_113 : i32 to index
      %parallel_loop3A_115 = tpu.vector_load %arg5[%parallel_loop3A_114] {strides = array<i32>} : memref<20000xf32, #tpu.memory_space<vmem>>, vector<16xf32>,
      tpu.vector_store %arg5[%parallel_loop3A_114], %broadcast_in_dim3A_1 {strides = array<i32>} : memref<20000xf32, #tpu.memory_space<vmem>>, vector<16xf32>,
      %parallel_loop3A_116 = arith.constant 0 : i32
      %parallel_loop3A_117 = arith.addi %parallel_loop3A_116, %parallel_loop3A_55 : i32
      %parallel_loop3A_118 = arith.index_cast %parallel_loop3A_117 : i32 to index
      %parallel_loop3A_119 = tpu.vector_load %arg6[%parallel_loop3A_118] {strides = array<i32>} : memref<20000xf32, #tpu.memory_space<vmem>>, vector<16xf32>,
      tpu.vector_store %arg6[%parallel_loop3A_118], %broadcast_in_dim3A_1 {strides = array<i32>} : memref<20000xf32, #tpu.memory_space<vmem>>, vector<16xf32>,
      %parallel_loop3A_120 = arith.constant 10000 : i32
      %parallel_loop3A_121 = arith.addi %parallel_loop3A_120, %parallel_loop3A_55 : i32
      %parallel_loop3A_122 = arith.index_cast %parallel_loop3A_121 : i32 to index
      %parallel_loop3A_123 = tpu.vector_load %arg5[%parallel_loop3A_122] {strides = array<i32>} : memref<20000xf32, #tpu.memory_space<vmem>>, vector<16xf32>,
      tpu.vector_store %arg5[%parallel_loop3A_122], %broadcast_in_dim3A_1 {strides = array<i32>} : memref<20000xf32, #tpu.memory_space<vmem>>, vector<16xf32>,
      %parallel_loop3A_124 = arith.constant 10000 : i32
      %parallel_loop3A_125 = arith.addi %parallel_loop3A_124, %parallel_loop3A_55 : i32
      %parallel_loop3A_126 = arith.index_cast %parallel_loop3A_125 : i32 to index
      %parallel_loop3A_127 = tpu.vector_load %arg6[%parallel_loop3A_126] {strides = array<i32>} : memref<20000xf32, #tpu.memory_space<vmem>>, vector<16xf32>,
      tpu.vector_store %arg6[%parallel_loop3A_126], %broadcast_in_dim3A_1 {strides = array<i32>} : memref<20000xf32, #tpu.memory_space<vmem>>, vector<16xf32>,
    } {sc.loop_unroll_factor = 2 : i64, sc.parallel_access}
    %scan3A_32 = arith.constant 0 : i32
    %scan3A_33 = arith.constant 0 : i32
    %scan3A_34 = arith.constant 50 : i32
    %scan3A_35 = arith.addi %scan3A_33, %scan3A_34 : i32
    %scan3A_36 = arith.constant 1 : i32
    scf.for %scan3A_53 = %scan3A_33 to %scan3A_35 step %scan3A_36  : i32 {
      %mul3A_54 = arith.constant 2 : i32
      %mul3A_55 = arith.muli %scan3A_53, %mul3A_54 : i32
      %dma_wait3A_56 = arith.constant 0 : i32
      %dma_wait3A_57 = arith.constant 0 : i32
      %dma_wait3A_58 = tpu.memref_slice %arg3[%dma_wait3A_56, %dma_wait3A_57] : memref<100x6400xi32, #tpu.memory_space<hbm>> -> memref<1x6400xi32, #tpu.memory_space<hbm>>
      %dma_wait3A_59 = tpu.memref_squeeze %dma_wait3A_58 : memref<1x6400xi32, #tpu.memory_space<hbm>> -> memref<6400xi32, #tpu.memory_space<hbm>>
      %dma_wait3A_60 = arith.constant 0 : i32
      %dma_wait3A_61 = tpu.memref_slice %arg3[%dma_wait3A_56, %dma_wait3A_60] : memref<100x6400xi32, #tpu.memory_space<hbm>> -> memref<1x6400xi32, #tpu.memory_space<hbm>>
      %dma_wait3A_62 = tpu.memref_squeeze %dma_wait3A_61 : memref<1x6400xi32, #tpu.memory_space<hbm>> -> memref<6400xi32, #tpu.memory_space<hbm>>
      tpu.wait_dma2 semaphore(%arg11 : memref<!tpu.dma_semaphore, #tpu.memory_space<semaphore_mem>>) src(%dma_wait3A_62 : memref<6400xi32, #tpu.memory_space<hbm>>) dst(%arg9 : memref<6400xi32, #tpu.memory_space<vmem>>)
      %add3A_63 = arith.constant 1 : i32
      %add3A_64 = arith.addi %mul3A_55, %add3A_63 : i32
      %add3A_65 = arith.addi %add3A_64, %select_n3A_14 : i32
      %rem3A_66 = arith.constant 100 : i32
      %rem3A_67 = arith.remsi %add3A_65, %rem3A_66 : i32
      %dma_start3A_68 = arith.constant 0 : i32
      %dma_start3A_69 = tpu.memref_slice %arg3[%rem3A_67, %dma_start3A_68] : memref<100x6400xi32, #tpu.memory_space<hbm>> -> memref<1x6400xi32, #tpu.memory_space<hbm>>
      %dma_start3A_70 = tpu.memref_squeeze %dma_start3A_69 : memref<1x6400xi32, #tpu.memory_space<hbm>> -> memref<6400xi32, #tpu.memory_space<hbm>>
      %dma_start3A_71 = arith.constant 0 : i32
      %dma_start3A_72 = tpu.memref_slice %arg3[%rem3A_67, %dma_start3A_71] : memref<100x6400xi32, #tpu.memory_space<hbm>> -> memref<1x6400xi32, #tpu.memory_space<hbm>>
      %dma_start3A_73 = tpu.memref_squeeze %dma_start3A_72 : memref<1x6400xi32, #tpu.memory_space<hbm>> -> memref<6400xi32, #tpu.memory_space<hbm>>
      tpu.enqueue_dma source(%dma_start3A_73 : memref<6400xi32, #tpu.memory_space<hbm>>) target(%arg10 : memref<6400xi32, #tpu.memory_space<vmem>>) target_semaphore(%arg12 : memref<!tpu.dma_semaphore, #tpu.memory_space<semaphore_mem>>)
      %parallel_loop3A_74 = arith.constant 0 : i32
      %parallel_loop3A_75 = arith.constant 200 : i32
      %parallel_loop3A_76 = arith.constant 1 : i32
      scf.for %parallel_loop3A_98 = %parallel_loop3A_74 to %parallel_loop3A_75 step %parallel_loop3A_76  : i32 {
        %parallel_loop3A_99 = arith.constant 16 : i32
        %parallel_loop3A_100 = arith.muli %parallel_loop3A_98, %parallel_loop3A_99 : i32
        %parallel_loop3A_101 = arith.index_cast %parallel_loop3A_100 : i32 to index
        %parallel_loop3A_102 = tpu.vector_load %arg9[%parallel_loop3A_101] {strides = array<i32>} : memref<6400xi32, #tpu.memory_space<vmem>>, vector<16xi32>,
        %parallel_loop3A_103 = arith.constant 65535 : i32
        %parallel_loop3A_104 = vector.broadcast %parallel_loop3A_103 : i32 to vector<16xi32>
        %parallel_loop3A_105 = arith.andi %parallel_loop3A_102, %parallel_loop3A_104 : vector<16xi32>
        %parallel_loop3A_106 = arith.constant 16 : i32
        %parallel_loop3A_107 = vector.broadcast %parallel_loop3A_106 : i32 to vector<16xi32>
        %parallel_loop3A_108 = arith.shrui %parallel_loop3A_102, %parallel_loop3A_107 : vector<16xi32>
        %parallel_loop3A_109 = arith.constant 3200 : i32
        %parallel_loop3A_110 = arith.addi %parallel_loop3A_109, %parallel_loop3A_100 : i32
        %parallel_loop3A_111 = arith.index_cast %parallel_loop3A_110 : i32 to index
        %parallel_loop3A_112 = tpu.vector_load %arg9[%parallel_loop3A_111] {strides = array<i32>} : memref<6400xi32, #tpu.memory_space<vmem>>, vector<16xi32>,
        %parallel_loop3A_113 = vector.bitcast %parallel_loop3A_112 : vector<16xi32> to vector<16xf32>
        %parallel_loop3A_114 = tpu.vector_load_idx %arg8[%parallel_loop3A_105] : memref<20000xi32, #tpu.memory_space<vmem>>[vector<16xi32>], vector<16xi32>,
        %parallel_loop3A_115 = vector.bitcast %parallel_loop3A_114 : vector<16xi32> to vector<32xbf16>
        %parallel_loop3A_116 = tpu.unpack_subelements %parallel_loop3A_115, 0 {pack_format = #tpu.pack_format<interleaved>} : vector<32xbf16> -> vector<16xf32>
        %parallel_loop3A_117 = tpu.unpack_subelements %parallel_loop3A_115, 1 {pack_format = #tpu.pack_format<interleaved>} : vector<32xbf16> -> vector<16xf32>
        %parallel_loop3A_118 = arith.mulf %parallel_loop3A_116, %parallel_loop3A_113 : vector<16xf32>
        tpu.vector_store_idx %arg5[%parallel_loop3A_108], %parallel_loop3A_118 {add = true} : memref<20000xf32, #tpu.memory_space<vmem>>[vector<16xi32>], vector<16xf32>,
        %parallel_loop3A_119 = arith.mulf %parallel_loop3A_117, %parallel_loop3A_113 : vector<16xf32>
        tpu.vector_store_idx %arg6[%parallel_loop3A_108], %parallel_loop3A_119 {add = true} : memref<20000xf32, #tpu.memory_space<vmem>>[vector<16xi32>], vector<16xf32>,
        %parallel_loop3A_120 = arith.constant 10000 : i32
        %parallel_loop3A_121 = vector.broadcast %parallel_loop3A_120 : i32 to vector<16xi32>
        %parallel_loop3A_122 = arith.addi %parallel_loop3A_105, %parallel_loop3A_121 : vector<16xi32>
        %parallel_loop3A_123 = tpu.vector_load_idx %arg8[%parallel_loop3A_122] : memref<20000xi32, #tpu.memory_space<vmem>>[vector<16xi32>], vector<16xi32>,
        %parallel_loop3A_124 = vector.bitcast %parallel_loop3A_123 : vector<16xi32> to vector<32xbf16>
        %parallel_loop3A_125 = tpu.unpack_subelements %parallel_loop3A_124, 0 {pack_format = #tpu.pack_format<interleaved>} : vector<32xbf16> -> vector<16xf32>
        %parallel_loop3A_126 = tpu.unpack_subelements %parallel_loop3A_124, 1 {pack_format = #tpu.pack_format<interleaved>} : vector<32xbf16> -> vector<16xf32>
        %parallel_loop3A_127 = arith.constant 10000 : i32
        %parallel_loop3A_128 = vector.broadcast %parallel_loop3A_127 : i32 to vector<16xi32>
        %parallel_loop3A_129 = arith.addi %parallel_loop3A_108, %parallel_loop3A_128 : vector<16xi32>
        %parallel_loop3A_130 = arith.mulf %parallel_loop3A_125, %parallel_loop3A_113 : vector<16xf32>
        tpu.vector_store_idx %arg5[%parallel_loop3A_129], %parallel_loop3A_130 {add = true} : memref<20000xf32, #tpu.memory_space<vmem>>[vector<16xi32>], vector<16xf32>,
        %parallel_loop3A_131 = arith.mulf %parallel_loop3A_126, %parallel_loop3A_113 : vector<16xf32>
        tpu.vector_store_idx %arg6[%parallel_loop3A_129], %parallel_loop3A_131 {add = true} : memref<20000xf32, #tpu.memory_space<vmem>>[vector<16xi32>], vector<16xf32>,
      } {sc.loop_unroll_factor = 4 : i64, sc.parallel_access}
      %dma_wait3A_77 = arith.constant 0 : i32
      %dma_wait3A_78 = arith.constant 0 : i32
      %dma_wait3A_79 = tpu.memref_slice %arg3[%dma_wait3A_77, %dma_wait3A_78] : memref<100x6400xi32, #tpu.memory_space<hbm>> -> memref<1x6400xi32, #tpu.memory_space<hbm>>
      %dma_wait3A_80 = tpu.memref_squeeze %dma_wait3A_79 : memref<1x6400xi32, #tpu.memory_space<hbm>> -> memref<6400xi32, #tpu.memory_space<hbm>>
      %dma_wait3A_81 = arith.constant 0 : i32
      %dma_wait3A_82 = tpu.memref_slice %arg3[%dma_wait3A_77, %dma_wait3A_81] : memref<100x6400xi32, #tpu.memory_space<hbm>> -> memref<1x6400xi32, #tpu.memory_space<hbm>>
      %dma_wait3A_83 = tpu.memref_squeeze %dma_wait3A_82 : memref<1x6400xi32, #tpu.memory_space<hbm>> -> memref<6400xi32, #tpu.memory_space<hbm>>
      tpu.wait_dma2 semaphore(%arg12 : memref<!tpu.dma_semaphore, #tpu.memory_space<semaphore_mem>>) src(%dma_wait3A_83 : memref<6400xi32, #tpu.memory_space<hbm>>) dst(%arg10 : memref<6400xi32, #tpu.memory_space<vmem>>)
      %add3A_84 = arith.constant 2 : i32
      %add3A_85 = arith.addi %mul3A_55, %add3A_84 : i32
      %add3A_86 = arith.addi %add3A_85, %select_n3A_14 : i32
      %rem3A_87 = arith.constant 100 : i32
      %rem3A_88 = arith.remsi %add3A_86, %rem3A_87 : i32
      %dma_start3A_89 = arith.constant 0 : i32
      %dma_start3A_90 = tpu.memref_slice %arg3[%rem3A_88, %dma_start3A_89] : memref<100x6400xi32, #tpu.memory_space<hbm>> -> memref<1x6400xi32, #tpu.memory_space<hbm>>
      %dma_start3A_91 = tpu.memref_squeeze %dma_start3A_90 : memref<1x6400xi32, #tpu.memory_space<hbm>> -> memref<6400xi32, #tpu.memory_space<hbm>>
      %dma_start3A_92 = arith.constant 0 : i32
      %dma_start3A_93 = tpu.memref_slice %arg3[%rem3A_88, %dma_start3A_92] : memref<100x6400xi32, #tpu.memory_space<hbm>> -> memref<1x6400xi32, #tpu.memory_space<hbm>>
      %dma_start3A_94 = tpu.memref_squeeze %dma_start3A_93 : memref<1x6400xi32, #tpu.memory_space<hbm>> -> memref<6400xi32, #tpu.memory_space<hbm>>
      tpu.enqueue_dma source(%dma_start3A_94 : memref<6400xi32, #tpu.memory_space<hbm>>) target(%arg9 : memref<6400xi32, #tpu.memory_space<vmem>>) target_semaphore(%arg11 : memref<!tpu.dma_semaphore, #tpu.memory_space<semaphore_mem>>)
      %parallel_loop3A_95 = arith.constant 0 : i32
      %parallel_loop3A_96 = arith.constant 200 : i32
      %parallel_loop3A_97 = arith.constant 1 : i32
      scf.for %parallel_loop3A_98 = %parallel_loop3A_95 to %parallel_loop3A_96 step %parallel_loop3A_97  : i32 {
        %parallel_loop3A_99 = arith.constant 16 : i32
        %parallel_loop3A_100 = arith.muli %parallel_loop3A_98, %parallel_loop3A_99 : i32
        %parallel_loop3A_101 = arith.index_cast %parallel_loop3A_100 : i32 to index
        %parallel_loop3A_102 = tpu.vector_load %arg10[%parallel_loop3A_101] {strides = array<i32>} : memref<6400xi32, #tpu.memory_space<vmem>>, vector<16xi32>,
        %parallel_loop3A_103 = arith.constant 65535 : i32
        %parallel_loop3A_104 = vector.broadcast %parallel_loop3A_103 : i32 to vector<16xi32>
        %parallel_loop3A_105 = arith.andi %parallel_loop3A_102, %parallel_loop3A_104 : vector<16xi32>
        %parallel_loop3A_106 = arith.constant 16 : i32
        %parallel_loop3A_107 = vector.broadcast %parallel_loop3A_106 : i32 to vector<16xi32>
        %parallel_loop3A_108 = arith.shrui %parallel_loop3A_102, %parallel_loop3A_107 : vector<16xi32>
        %parallel_loop3A_109 = arith.constant 3200 : i32
        %parallel_loop3A_110 = arith.addi %parallel_loop3A_109, %parallel_loop3A_100 : i32
        %parallel_loop3A_111 = arith.index_cast %parallel_loop3A_110 : i32 to index
        %parallel_loop3A_112 = tpu.vector_load %arg10[%parallel_loop3A_111] {strides = array<i32>} : memref<6400xi32, #tpu.memory_space<vmem>>, vector<16xi32>,
        %parallel_loop3A_113 = vector.bitcast %parallel_loop3A_112 : vector<16xi32> to vector<16xf32>
        %parallel_loop3A_114 = tpu.vector_load_idx %arg8[%parallel_loop3A_105] : memref<20000xi32, #tpu.memory_space<vmem>>[vector<16xi32>], vector<16xi32>,
        %parallel_loop3A_115 = vector.bitcast %parallel_loop3A_114 : vector<16xi32> to vector<32xbf16>
        %parallel_loop3A_116 = tpu.unpack_subelements %parallel_loop3A_115, 0 {pack_format = #tpu.pack_format<interleaved>} : vector<32xbf16> -> vector<16xf32>
        %parallel_loop3A_117 = tpu.unpack_subelements %parallel_loop3A_115, 1 {pack_format = #tpu.pack_format<interleaved>} : vector<32xbf16> -> vector<16xf32>
        %parallel_loop3A_118 = arith.mulf %parallel_loop3A_116, %parallel_loop3A_113 : vector<16xf32>
        tpu.vector_store_idx %arg5[%parallel_loop3A_108], %parallel_loop3A_118 {add = true} : memref<20000xf32, #tpu.memory_space<vmem>>[vector<16xi32>], vector<16xf32>,
        %parallel_loop3A_119 = arith.mulf %parallel_loop3A_117, %parallel_loop3A_113 : vector<16xf32>
        tpu.vector_store_idx %arg6[%parallel_loop3A_108], %parallel_loop3A_119 {add = true} : memref<20000xf32, #tpu.memory_space<vmem>>[vector<16xi32>], vector<16xf32>,
        %parallel_loop3A_120 = arith.constant 10000 : i32
        %parallel_loop3A_121 = vector.broadcast %parallel_loop3A_120 : i32 to vector<16xi32>
        %parallel_loop3A_122 = arith.addi %parallel_loop3A_105, %parallel_loop3A_121 : vector<16xi32>
        %parallel_loop3A_123 = tpu.vector_load_idx %arg8[%parallel_loop3A_122] : memref<20000xi32, #tpu.memory_space<vmem>>[vector<16xi32>], vector<16xi32>,
        %parallel_loop3A_124 = vector.bitcast %parallel_loop3A_123 : vector<16xi32> to vector<32xbf16>
        %parallel_loop3A_125 = tpu.unpack_subelements %parallel_loop3A_124, 0 {pack_format = #tpu.pack_format<interleaved>} : vector<32xbf16> -> vector<16xf32>
        %parallel_loop3A_126 = tpu.unpack_subelements %parallel_loop3A_124, 1 {pack_format = #tpu.pack_format<interleaved>} : vector<32xbf16> -> vector<16xf32>
        %parallel_loop3A_127 = arith.constant 10000 : i32
        %parallel_loop3A_128 = vector.broadcast %parallel_loop3A_127 : i32 to vector<16xi32>
        %parallel_loop3A_129 = arith.addi %parallel_loop3A_108, %parallel_loop3A_128 : vector<16xi32>
        %parallel_loop3A_130 = arith.mulf %parallel_loop3A_125, %parallel_loop3A_113 : vector<16xf32>
        tpu.vector_store_idx %arg5[%parallel_loop3A_129], %parallel_loop3A_130 {add = true} : memref<20000xf32, #tpu.memory_space<vmem>>[vector<16xi32>], vector<16xf32>,
        %parallel_loop3A_131 = arith.mulf %parallel_loop3A_126, %parallel_loop3A_113 : vector<16xf32>
        tpu.vector_store_idx %arg6[%parallel_loop3A_129], %parallel_loop3A_131 {add = true} : memref<20000xf32, #tpu.memory_space<vmem>>[vector<16xi32>], vector<16xf32>,
      } {sc.loop_unroll_factor = 4 : i64, sc.parallel_access}
    }
    %scan3A_37 = arith.constant 50 : i32
    %parallel_loop3A_38 = arith.constant 0 : i32
    %parallel_loop3A_39 = arith.constant 625 : i32
    %parallel_loop3A_40 = arith.constant 1 : i32
    scf.for %parallel_loop3A_53 = %parallel_loop3A_38 to %parallel_loop3A_39 step %parallel_loop3A_40  : i32 {
      %parallel_loop3A_54 = arith.constant 16 : i32
      %parallel_loop3A_55 = arith.muli %parallel_loop3A_53, %parallel_loop3A_54 : i32
      %parallel_loop3A_56 = arith.constant 0 : i32
      %parallel_loop3A_57 = arith.addi %parallel_loop3A_56, %parallel_loop3A_55 : i32
      %parallel_loop3A_58 = arith.constant 0 : i32
      %parallel_loop3A_59 = arith.addi %parallel_loop3A_58, %parallel_loop3A_55 : i32
      %parallel_loop3A_60 = arith.index_cast %parallel_loop3A_59 : i32 to index
      %parallel_loop3A_61 = tpu.vector_load %arg5[%parallel_loop3A_60] {strides = array<i32>} : memref<20000xf32, #tpu.memory_space<vmem>>, vector<16xf32>,
      %parallel_loop3A_62 = arith.index_cast %parallel_loop3A_57 : i32 to index
      %parallel_loop3A_63 = tpu.vector_load %arg7[%parallel_loop3A_62] {strides = array<i32>} : memref<40000xf32, #tpu.memory_space<vmem>>, vector<16xf32>,
      %parallel_loop3A_64 = arith.addf %parallel_loop3A_63, %parallel_loop3A_61 : vector<16xf32>
      %parallel_loop3A_65 = arith.index_cast %parallel_loop3A_57 : i32 to index
      %parallel_loop3A_66 = tpu.vector_load %arg7[%parallel_loop3A_65] {strides = array<i32>} : memref<40000xf32, #tpu.memory_space<vmem>>, vector<16xf32>,
      tpu.vector_store %arg7[%parallel_loop3A_65], %parallel_loop3A_64 {strides = array<i32>} : memref<40000xf32, #tpu.memory_space<vmem>>, vector<16xf32>,
      %parallel_loop3A_67 = arith.constant 10000 : i32
      %parallel_loop3A_68 = arith.addi %parallel_loop3A_67, %parallel_loop3A_55 : i32
      %parallel_loop3A_69 = arith.constant 0 : i32
      %parallel_loop3A_70 = arith.addi %parallel_loop3A_69, %parallel_loop3A_55 : i32
      %parallel_loop3A_71 = arith.index_cast %parallel_loop3A_70 : i32 to index
      %parallel_loop3A_72 = tpu.vector_load %arg6[%parallel_loop3A_71] {strides = array<i32>} : memref<20000xf32, #tpu.memory_space<vmem>>, vector<16xf32>,
      %parallel_loop3A_73 = arith.index_cast %parallel_loop3A_68 : i32 to index
      %parallel_loop3A_74 = tpu.vector_load %arg7[%parallel_loop3A_73] {strides = array<i32>} : memref<40000xf32, #tpu.memory_space<vmem>>, vector<16xf32>,
      %parallel_loop3A_75 = arith.addf %parallel_loop3A_74, %parallel_loop3A_72 : vector<16xf32>
      %parallel_loop3A_76 = arith.index_cast %parallel_loop3A_68 : i32 to index
      %parallel_loop3A_77 = tpu.vector_load %arg7[%parallel_loop3A_76] {strides = array<i32>} : memref<40000xf32, #tpu.memory_space<vmem>>, vector<16xf32>,
      tpu.vector_store %arg7[%parallel_loop3A_76], %parallel_loop3A_75 {strides = array<i32>} : memref<40000xf32, #tpu.memory_space<vmem>>, vector<16xf32>,
      %parallel_loop3A_78 = arith.constant 20000 : i32
      %parallel_loop3A_79 = arith.addi %parallel_loop3A_78, %parallel_loop3A_55 : i32
      %parallel_loop3A_80 = arith.constant 10000 : i32
      %parallel_loop3A_81 = arith.addi %parallel_loop3A_80, %parallel_loop3A_55 : i32
      %parallel_loop3A_82 = arith.index_cast %parallel_loop3A_81 : i32 to index
      %parallel_loop3A_83 = tpu.vector_load %arg5[%parallel_loop3A_82] {strides = array<i32>} : memref<20000xf32, #tpu.memory_space<vmem>>, vector<16xf32>,
      %parallel_loop3A_84 = arith.index_cast %parallel_loop3A_79 : i32 to index
      %parallel_loop3A_85 = tpu.vector_load %arg7[%parallel_loop3A_84] {strides = array<i32>} : memref<40000xf32, #tpu.memory_space<vmem>>, vector<16xf32>,
      %parallel_loop3A_86 = arith.addf %parallel_loop3A_85, %parallel_loop3A_83 : vector<16xf32>
      %parallel_loop3A_87 = arith.index_cast %parallel_loop3A_79 : i32 to index
      %parallel_loop3A_88 = tpu.vector_load %arg7[%parallel_loop3A_87] {strides = array<i32>} : memref<40000xf32, #tpu.memory_space<vmem>>, vector<16xf32>,
      tpu.vector_store %arg7[%parallel_loop3A_87], %parallel_loop3A_86 {strides = array<i32>} : memref<40000xf32, #tpu.memory_space<vmem>>, vector<16xf32>,
      %parallel_loop3A_89 = arith.constant 30000 : i32
      %parallel_loop3A_90 = arith.addi %parallel_loop3A_89, %parallel_loop3A_55 : i32
      %parallel_loop3A_91 = arith.constant 10000 : i32
      %parallel_loop3A_92 = arith.addi %parallel_loop3A_91, %parallel_loop3A_55 : i32
      %parallel_loop3A_93 = arith.index_cast %parallel_loop3A_92 : i32 to index
      %parallel_loop3A_94 = tpu.vector_load %arg6[%parallel_loop3A_93] {strides = array<i32>} : memref<20000xf32, #tpu.memory_space<vmem>>, vector<16xf32>,
      %parallel_loop3A_95 = arith.index_cast %parallel_loop3A_90 : i32 to index
      %parallel_loop3A_96 = tpu.vector_load %arg7[%parallel_loop3A_95] {strides = array<i32>} : memref<40000xf32, #tpu.memory_space<vmem>>, vector<16xf32>,
      %parallel_loop3A_97 = arith.addf %parallel_loop3A_96, %parallel_loop3A_94 : vector<16xf32>
      %parallel_loop3A_98 = arith.index_cast %parallel_loop3A_90 : i32 to index
      %parallel_loop3A_99 = tpu.vector_load %arg7[%parallel_loop3A_98] {strides = array<i32>} : memref<40000xf32, #tpu.memory_space<vmem>>, vector<16xf32>,
      tpu.vector_store %arg7[%parallel_loop3A_98], %parallel_loop3A_97 {strides = array<i32>} : memref<40000xf32, #tpu.memory_space<vmem>>, vector<16xf32>,
      %parallel_loop3A_100 = tpu.pack_subelements %parallel_loop3A_61, %parallel_loop3A_72 {pack_format = #tpu.pack_format<interleaved>, positions = array<i32: 0, 1>} : vector<16xf32>, vector<16xf32> -> vector<32xbf16>
      %parallel_loop3A_101 = vector.bitcast %parallel_loop3A_100 : vector<32xbf16> to vector<16xi32>
      %parallel_loop3A_102 = arith.constant 0 : i32
      %parallel_loop3A_103 = arith.addi %parallel_loop3A_102, %parallel_loop3A_55 : i32
      %parallel_loop3A_104 = arith.index_cast %parallel_loop3A_103 : i32 to index
      %parallel_loop3A_105 = tpu.vector_load %arg8[%parallel_loop3A_104] {strides = array<i32>} : memref<20000xi32, #tpu.memory_space<vmem>>, vector<16xi32>,
      tpu.vector_store %arg8[%parallel_loop3A_104], %parallel_loop3A_101 {strides = array<i32>} : memref<20000xi32, #tpu.memory_space<vmem>>, vector<16xi32>,
      %parallel_loop3A_106 = tpu.pack_subelements %parallel_loop3A_83, %parallel_loop3A_94 {pack_format = #tpu.pack_format<interleaved>, positions = array<i32: 0, 1>} : vector<16xf32>, vector<16xf32> -> vector<32xbf16>
      %parallel_loop3A_107 = vector.bitcast %parallel_loop3A_106 : vector<32xbf16> to vector<16xi32>
      %parallel_loop3A_108 = arith.constant 10000 : i32
      %parallel_loop3A_109 = arith.addi %parallel_loop3A_108, %parallel_loop3A_55 : i32
      %parallel_loop3A_110 = arith.index_cast %parallel_loop3A_109 : i32 to index
      %parallel_loop3A_111 = tpu.vector_load %arg8[%parallel_loop3A_110] {strides = array<i32>} : memref<20000xi32, #tpu.memory_space<vmem>>, vector<16xi32>,
      tpu.vector_store %arg8[%parallel_loop3A_110], %parallel_loop3A_107 {strides = array<i32>} : memref<20000xi32, #tpu.memory_space<vmem>>, vector<16xi32>,
    } {sc.loop_unroll_factor = 2 : i64, sc.parallel_access}
    %scan3A_41 = arith.constant 0 : i32
    %scan3A_42 = arith.constant 0 : i32
    %scan3A_43 = arith.constant 50 : i32
    %scan3A_44 = arith.addi %scan3A_42, %scan3A_43 : i32
    %scan3A_45 = arith.constant 1 : i32
    scf.for %scan3A_53 = %scan3A_42 to %scan3A_44 step %scan3A_45  : i32 {
      %mul3A_54 = arith.constant 2 : i32
      %mul3A_55 = arith.muli %scan3A_53, %mul3A_54 : i32
      %dma_wait3A_56 = arith.constant 0 : i32
      %dma_wait3A_57 = arith.constant 0 : i32
      %dma_wait3A_58 = tpu.memref_slice %arg3[%dma_wait3A_56, %dma_wait3A_57] : memref<100x6400xi32, #tpu.memory_space<hbm>> -> memref<1x6400xi32, #tpu.memory_space<hbm>>
      %dma_wait3A_59 = tpu.memref_squeeze %dma_wait3A_58 : memref<1x6400xi32, #tpu.memory_space<hbm>> -> memref<6400xi32, #tpu.memory_space<hbm>>
      %dma_wait3A_60 = arith.constant 0 : i32
      %dma_wait3A_61 = tpu.memref_slice %arg3[%dma_wait3A_56, %dma_wait3A_60] : memref<100x6400xi32, #tpu.memory_space<hbm>> -> memref<1x6400xi32, #tpu.memory_space<hbm>>
      %dma_wait3A_62 = tpu.memref_squeeze %dma_wait3A_61 : memref<1x6400xi32, #tpu.memory_space<hbm>> -> memref<6400xi32, #tpu.memory_space<hbm>>
      tpu.wait_dma2 semaphore(%arg11 : memref<!tpu.dma_semaphore, #tpu.memory_space<semaphore_mem>>) src(%dma_wait3A_62 : memref<6400xi32, #tpu.memory_space<hbm>>) dst(%arg9 : memref<6400xi32, #tpu.memory_space<vmem>>)
      %add3A_63 = arith.constant 1 : i32
      %add3A_64 = arith.addi %mul3A_55, %add3A_63 : i32
      %add3A_65 = arith.addi %add3A_64, %select_n3A_14 : i32
      %rem3A_66 = arith.constant 100 : i32
      %rem3A_67 = arith.remsi %add3A_65, %rem3A_66 : i32
      %dma_start3A_68 = arith.constant 0 : i32
      %dma_start3A_69 = tpu.memref_slice %arg3[%rem3A_67, %dma_start3A_68] : memref<100x6400xi32, #tpu.memory_space<hbm>> -> memref<1x6400xi32, #tpu.memory_space<hbm>>
      %dma_start3A_70 = tpu.memref_squeeze %dma_start3A_69 : memref<1x6400xi32, #tpu.memory_space<hbm>> -> memref<6400xi32, #tpu.memory_space<hbm>>
      %dma_start3A_71 = arith.constant 0 : i32
      %dma_start3A_72 = tpu.memref_slice %arg3[%rem3A_67, %dma_start3A_71] : memref<100x6400xi32, #tpu.memory_space<hbm>> -> memref<1x6400xi32, #tpu.memory_space<hbm>>
      %dma_start3A_73 = tpu.memref_squeeze %dma_start3A_72 : memref<1x6400xi32, #tpu.memory_space<hbm>> -> memref<6400xi32, #tpu.memory_space<hbm>>
      tpu.enqueue_dma source(%dma_start3A_73 : memref<6400xi32, #tpu.memory_space<hbm>>) target(%arg10 : memref<6400xi32, #tpu.memory_space<vmem>>) target_semaphore(%arg12 : memref<!tpu.dma_semaphore, #tpu.memory_space<semaphore_mem>>)
      %parallel_loop3A_74 = arith.constant 0 : i32
      %parallel_loop3A_75 = arith.constant 200 : i32
      %parallel_loop3A_76 = arith.constant 1 : i32
      scf.for %parallel_loop3A_98 = %parallel_loop3A_74 to %parallel_loop3A_75 step %parallel_loop3A_76  : i32 {
        %parallel_loop3A_99 = arith.constant 16 : i32
        %parallel_loop3A_100 = arith.muli %parallel_loop3A_98, %parallel_loop3A_99 : i32
        %parallel_loop3A_101 = arith.index_cast %parallel_loop3A_100 : i32 to index
        %parallel_loop3A_102 = tpu.vector_load %arg9[%parallel_loop3A_101] {strides = array<i32>} : memref<6400xi32, #tpu.memory_space<vmem>>, vector<16xi32>,
        %parallel_loop3A_103 = arith.constant 65535 : i32
        %parallel_loop3A_104 = vector.broadcast %parallel_loop3A_103 : i32 to vector<16xi32>
        %parallel_loop3A_105 = arith.andi %parallel_loop3A_102, %parallel_loop3A_104 : vector<16xi32>
        %parallel_loop3A_106 = arith.constant 16 : i32
        %parallel_loop3A_107 = vector.broadcast %parallel_loop3A_106 : i32 to vector<16xi32>
        %parallel_loop3A_108 = arith.shrui %parallel_loop3A_102, %parallel_loop3A_107 : vector<16xi32>
        %parallel_loop3A_109 = arith.constant 3200 : i32
        %parallel_loop3A_110 = arith.addi %parallel_loop3A_109, %parallel_loop3A_100 : i32
        %parallel_loop3A_111 = arith.index_cast %parallel_loop3A_110 : i32 to index
        %parallel_loop3A_112 = tpu.vector_load %arg9[%parallel_loop3A_111] {strides = array<i32>} : memref<6400xi32, #tpu.memory_space<vmem>>, vector<16xi32>,
        %parallel_loop3A_113 = vector.bitcast %parallel_loop3A_112 : vector<16xi32> to vector<16xf32>
        %parallel_loop3A_114 = tpu.vector_load_idx %arg8[%parallel_loop3A_105] : memref<20000xi32, #tpu.memory_space<vmem>>[vector<16xi32>], vector<16xi32>,
        %parallel_loop3A_115 = vector.bitcast %parallel_loop3A_114 : vector<16xi32> to vector<32xbf16>
        %parallel_loop3A_116 = tpu.unpack_subelements %parallel_loop3A_115, 0 {pack_format = #tpu.pack_format<interleaved>} : vector<32xbf16> -> vector<16xf32>
        %parallel_loop3A_117 = tpu.unpack_subelements %parallel_loop3A_115, 1 {pack_format = #tpu.pack_format<interleaved>} : vector<32xbf16> -> vector<16xf32>
        %parallel_loop3A_118 = arith.mulf %parallel_loop3A_116, %parallel_loop3A_113 : vector<16xf32>
        tpu.vector_store_idx %arg7[%parallel_loop3A_108], %parallel_loop3A_118 {add = true} : memref<40000xf32, #tpu.memory_space<vmem>>[vector<16xi32>], vector<16xf32>,
        %parallel_loop3A_119 = arith.constant 10000 : i32
        %parallel_loop3A_120 = vector.broadcast %parallel_loop3A_119 : i32 to vector<16xi32>
        %parallel_loop3A_121 = arith.addi %parallel_loop3A_108, %parallel_loop3A_120 : vector<16xi32>
        %parallel_loop3A_122 = arith.mulf %parallel_loop3A_117, %parallel_loop3A_113 : vector<16xf32>
        tpu.vector_store_idx %arg7[%parallel_loop3A_121], %parallel_loop3A_122 {add = true} : memref<40000xf32, #tpu.memory_space<vmem>>[vector<16xi32>], vector<16xf32>,
        %parallel_loop3A_123 = arith.constant 10000 : i32
        %parallel_loop3A_124 = vector.broadcast %parallel_loop3A_123 : i32 to vector<16xi32>
        %parallel_loop3A_125 = arith.addi %parallel_loop3A_105, %parallel_loop3A_124 : vector<16xi32>
        %parallel_loop3A_126 = tpu.vector_load_idx %arg8[%parallel_loop3A_125] : memref<20000xi32, #tpu.memory_space<vmem>>[vector<16xi32>], vector<16xi32>,
        %parallel_loop3A_127 = vector.bitcast %parallel_loop3A_126 : vector<16xi32> to vector<32xbf16>
        %parallel_loop3A_128 = tpu.unpack_subelements %parallel_loop3A_127, 0 {pack_format = #tpu.pack_format<interleaved>} : vector<32xbf16> -> vector<16xf32>
        %parallel_loop3A_129 = tpu.unpack_subelements %parallel_loop3A_127, 1 {pack_format = #tpu.pack_format<interleaved>} : vector<32xbf16> -> vector<16xf32>
        %parallel_loop3A_130 = arith.constant 20000 : i32
        %parallel_loop3A_131 = vector.broadcast %parallel_loop3A_130 : i32 to vector<16xi32>
        %parallel_loop3A_132 = arith.addi %parallel_loop3A_108, %parallel_loop3A_131 : vector<16xi32>
        %parallel_loop3A_133 = arith.mulf %parallel_loop3A_128, %parallel_loop3A_113 : vector<16xf32>
        tpu.vector_store_idx %arg7[%parallel_loop3A_132], %parallel_loop3A_133 {add = true} : memref<40000xf32, #tpu.memory_space<vmem>>[vector<16xi32>], vector<16xf32>,
        %parallel_loop3A_134 = arith.constant 30000 : i32
        %parallel_loop3A_135 = vector.broadcast %parallel_loop3A_134 : i32 to vector<16xi32>
        %parallel_loop3A_136 = arith.addi %parallel_loop3A_108, %parallel_loop3A_135 : vector<16xi32>
        %parallel_loop3A_137 = arith.mulf %parallel_loop3A_129, %parallel_loop3A_113 : vector<16xf32>
        tpu.vector_store_idx %arg7[%parallel_loop3A_136], %parallel_loop3A_137 {add = true} : memref<40000xf32, #tpu.memory_space<vmem>>[vector<16xi32>], vector<16xf32>,
      } {sc.loop_unroll_factor = 4 : i64, sc.parallel_access}
      %dma_wait3A_77 = arith.constant 0 : i32
      %dma_wait3A_78 = arith.constant 0 : i32
      %dma_wait3A_79 = tpu.memref_slice %arg3[%dma_wait3A_77, %dma_wait3A_78] : memref<100x6400xi32, #tpu.memory_space<hbm>> -> memref<1x6400xi32, #tpu.memory_space<hbm>>
      %dma_wait3A_80 = tpu.memref_squeeze %dma_wait3A_79 : memref<1x6400xi32, #tpu.memory_space<hbm>> -> memref<6400xi32, #tpu.memory_space<hbm>>
      %dma_wait3A_81 = arith.constant 0 : i32
      %dma_wait3A_82 = tpu.memref_slice %arg3[%dma_wait3A_77, %dma_wait3A_81] : memref<100x6400xi32, #tpu.memory_space<hbm>> -> memref<1x6400xi32, #tpu.memory_space<hbm>>
      %dma_wait3A_83 = tpu.memref_squeeze %dma_wait3A_82 : memref<1x6400xi32, #tpu.memory_space<hbm>> -> memref<6400xi32, #tpu.memory_space<hbm>>
      tpu.wait_dma2 semaphore(%arg12 : memref<!tpu.dma_semaphore, #tpu.memory_space<semaphore_mem>>) src(%dma_wait3A_83 : memref<6400xi32, #tpu.memory_space<hbm>>) dst(%arg10 : memref<6400xi32, #tpu.memory_space<vmem>>)
      %add3A_84 = arith.constant 2 : i32
      %add3A_85 = arith.addi %mul3A_55, %add3A_84 : i32
      %add3A_86 = arith.addi %add3A_85, %select_n3A_14 : i32
      %rem3A_87 = arith.constant 100 : i32
      %rem3A_88 = arith.remsi %add3A_86, %rem3A_87 : i32
      %dma_start3A_89 = arith.constant 0 : i32
      %dma_start3A_90 = tpu.memref_slice %arg3[%rem3A_88, %dma_start3A_89] : memref<100x6400xi32, #tpu.memory_space<hbm>> -> memref<1x6400xi32, #tpu.memory_space<hbm>>
      %dma_start3A_91 = tpu.memref_squeeze %dma_start3A_90 : memref<1x6400xi32, #tpu.memory_space<hbm>> -> memref<6400xi32, #tpu.memory_space<hbm>>
      %dma_start3A_92 = arith.constant 0 : i32
      %dma_start3A_93 = tpu.memref_slice %arg3[%rem3A_88, %dma_start3A_92] : memref<100x6400xi32, #tpu.memory_space<hbm>> -> memref<1x6400xi32, #tpu.memory_space<hbm>>
      %dma_start3A_94 = tpu.memref_squeeze %dma_start3A_93 : memref<1x6400xi32, #tpu.memory_space<hbm>> -> memref<6400xi32, #tpu.memory_space<hbm>>
      tpu.enqueue_dma source(%dma_start3A_94 : memref<6400xi32, #tpu.memory_space<hbm>>) target(%arg9 : memref<6400xi32, #tpu.memory_space<vmem>>) target_semaphore(%arg11 : memref<!tpu.dma_semaphore, #tpu.memory_space<semaphore_mem>>)
      %parallel_loop3A_95 = arith.constant 0 : i32
      %parallel_loop3A_96 = arith.constant 200 : i32
      %parallel_loop3A_97 = arith.constant 1 : i32
      scf.for %parallel_loop3A_98 = %parallel_loop3A_95 to %parallel_loop3A_96 step %parallel_loop3A_97  : i32 {
        %parallel_loop3A_99 = arith.constant 16 : i32
        %parallel_loop3A_100 = arith.muli %parallel_loop3A_98, %parallel_loop3A_99 : i32
        %parallel_loop3A_101 = arith.index_cast %parallel_loop3A_100 : i32 to index
        %parallel_loop3A_102 = tpu.vector_load %arg10[%parallel_loop3A_101] {strides = array<i32>} : memref<6400xi32, #tpu.memory_space<vmem>>, vector<16xi32>,
        %parallel_loop3A_103 = arith.constant 65535 : i32
        %parallel_loop3A_104 = vector.broadcast %parallel_loop3A_103 : i32 to vector<16xi32>
        %parallel_loop3A_105 = arith.andi %parallel_loop3A_102, %parallel_loop3A_104 : vector<16xi32>
        %parallel_loop3A_106 = arith.constant 16 : i32
        %parallel_loop3A_107 = vector.broadcast %parallel_loop3A_106 : i32 to vector<16xi32>
        %parallel_loop3A_108 = arith.shrui %parallel_loop3A_102, %parallel_loop3A_107 : vector<16xi32>
        %parallel_loop3A_109 = arith.constant 3200 : i32
        %parallel_loop3A_110 = arith.addi %parallel_loop3A_109, %parallel_loop3A_100 : i32
        %parallel_loop3A_111 = arith.index_cast %parallel_loop3A_110 : i32 to index
        %parallel_loop3A_112 = tpu.vector_load %arg10[%parallel_loop3A_111] {strides = array<i32>} : memref<6400xi32, #tpu.memory_space<vmem>>, vector<16xi32>,
        %parallel_loop3A_113 = vector.bitcast %parallel_loop3A_112 : vector<16xi32> to vector<16xf32>
        %parallel_loop3A_114 = tpu.vector_load_idx %arg8[%parallel_loop3A_105] : memref<20000xi32, #tpu.memory_space<vmem>>[vector<16xi32>], vector<16xi32>,
        %parallel_loop3A_115 = vector.bitcast %parallel_loop3A_114 : vector<16xi32> to vector<32xbf16>
        %parallel_loop3A_116 = tpu.unpack_subelements %parallel_loop3A_115, 0 {pack_format = #tpu.pack_format<interleaved>} : vector<32xbf16> -> vector<16xf32>
        %parallel_loop3A_117 = tpu.unpack_subelements %parallel_loop3A_115, 1 {pack_format = #tpu.pack_format<interleaved>} : vector<32xbf16> -> vector<16xf32>
        %parallel_loop3A_118 = arith.mulf %parallel_loop3A_116, %parallel_loop3A_113 : vector<16xf32>
        tpu.vector_store_idx %arg7[%parallel_loop3A_108], %parallel_loop3A_118 {add = true} : memref<40000xf32, #tpu.memory_space<vmem>>[vector<16xi32>], vector<16xf32>,
        %parallel_loop3A_119 = arith.constant 10000 : i32
        %parallel_loop3A_120 = vector.broadcast %parallel_loop3A_119 : i32 to vector<16xi32>
        %parallel_loop3A_121 = arith.addi %parallel_loop3A_108, %parallel_loop3A_120 : vector<16xi32>
        %parallel_loop3A_122 = arith.mulf %parallel_loop3A_117, %parallel_loop3A_113 : vector<16xf32>
        tpu.vector_store_idx %arg7[%parallel_loop3A_121], %parallel_loop3A_122 {add = true} : memref<40000xf32, #tpu.memory_space<vmem>>[vector<16xi32>], vector<16xf32>,
        %parallel_loop3A_123 = arith.constant 10000 : i32
        %parallel_loop3A_124 = vector.broadcast %parallel_loop3A_123 : i32 to vector<16xi32>
        %parallel_loop3A_125 = arith.addi %parallel_loop3A_105, %parallel_loop3A_124 : vector<16xi32>
        %parallel_loop3A_126 = tpu.vector_load_idx %arg8[%parallel_loop3A_125] : memref<20000xi32, #tpu.memory_space<vmem>>[vector<16xi32>], vector<16xi32>,
        %parallel_loop3A_127 = vector.bitcast %parallel_loop3A_126 : vector<16xi32> to vector<32xbf16>
        %parallel_loop3A_128 = tpu.unpack_subelements %parallel_loop3A_127, 0 {pack_format = #tpu.pack_format<interleaved>} : vector<32xbf16> -> vector<16xf32>
        %parallel_loop3A_129 = tpu.unpack_subelements %parallel_loop3A_127, 1 {pack_format = #tpu.pack_format<interleaved>} : vector<32xbf16> -> vector<16xf32>
        %parallel_loop3A_130 = arith.constant 20000 : i32
        %parallel_loop3A_131 = vector.broadcast %parallel_loop3A_130 : i32 to vector<16xi32>
        %parallel_loop3A_132 = arith.addi %parallel_loop3A_108, %parallel_loop3A_131 : vector<16xi32>
        %parallel_loop3A_133 = arith.mulf %parallel_loop3A_128, %parallel_loop3A_113 : vector<16xf32>
        tpu.vector_store_idx %arg7[%parallel_loop3A_132], %parallel_loop3A_133 {add = true} : memref<40000xf32, #tpu.memory_space<vmem>>[vector<16xi32>], vector<16xf32>,
        %parallel_loop3A_134 = arith.constant 30000 : i32
        %parallel_loop3A_135 = vector.broadcast %parallel_loop3A_134 : i32 to vector<16xi32>
        %parallel_loop3A_136 = arith.addi %parallel_loop3A_108, %parallel_loop3A_135 : vector<16xi32>
        %parallel_loop3A_137 = arith.mulf %parallel_loop3A_129, %parallel_loop3A_113 : vector<16xf32>
        tpu.vector_store_idx %arg7[%parallel_loop3A_136], %parallel_loop3A_137 {add = true} : memref<40000xf32, #tpu.memory_space<vmem>>[vector<16xi32>], vector<16xf32>,
      } {sc.loop_unroll_factor = 4 : i64, sc.parallel_access}
    }
    %scan3A_46 = arith.constant 50 : i32
    %dma_wait3A = arith.constant 0 : i32
    %dma_wait3A_47 = arith.constant 0 : i32
    %dma_wait3A_48 = tpu.memref_slice %arg3[%dma_wait3A, %dma_wait3A_47] : memref<100x6400xi32, #tpu.memory_space<hbm>> -> memref<1x6400xi32, #tpu.memory_space<hbm>>
    %dma_wait3A_49 = tpu.memref_squeeze %dma_wait3A_48 : memref<1x6400xi32, #tpu.memory_space<hbm>> -> memref<6400xi32, #tpu.memory_space<hbm>>
    %dma_wait3A_50 = arith.constant 0 : i32
    %dma_wait3A_51 = tpu.memref_slice %arg3[%dma_wait3A, %dma_wait3A_50] : memref<100x6400xi32, #tpu.memory_space<hbm>> -> memref<1x6400xi32, #tpu.memory_space<hbm>>
    %dma_wait3A_52 = tpu.memref_squeeze %dma_wait3A_51 : memref<1x6400xi32, #tpu.memory_space<hbm>> -> memref<6400xi32, #tpu.memory_space<hbm>>
    tpu.wait_dma2 semaphore(%arg11 : memref<!tpu.dma_semaphore, #tpu.memory_space<semaphore_mem>>) src(%dma_wait3A_52 : memref<6400xi32, #tpu.memory_space<hbm>>) dst(%arg9 : memref<6400xi32, #tpu.memory_space<vmem>>)
    "tpu.region"() ({
      %run_scoped3A = tpu.sem_alloc : memref<!tpu.dma_semaphore, #tpu.memory_space<semaphore_mem>>
      %dma_start3A_53 = arith.constant 0 : i32
      %dma_start3A_54 = tpu.memref_slice %arg4[%add3A, %dma_start3A_53] : memref<32x40000xf32, #tpu.memory_space<hbm>> -> memref<1x40000xf32, #tpu.memory_space<hbm>>
      %dma_start3A_55 = tpu.memref_squeeze %dma_start3A_54 : memref<1x40000xf32, #tpu.memory_space<hbm>> -> memref<40000xf32, #tpu.memory_space<hbm>>
      %dma_start3A_56 = arith.constant 0 : i32
      %dma_start3A_57 = tpu.memref_slice %arg4[%add3A, %dma_start3A_56] : memref<32x40000xf32, #tpu.memory_space<hbm>> -> memref<1x40000xf32, #tpu.memory_space<hbm>>
      %dma_start3A_58 = tpu.memref_squeeze %dma_start3A_57 : memref<1x40000xf32, #tpu.memory_space<hbm>> -> memref<40000xf32, #tpu.memory_space<hbm>>
      tpu.enqueue_dma source(%arg7 : memref<40000xf32, #tpu.memory_space<vmem>>) target(%dma_start3A_58 : memref<40000xf32, #tpu.memory_space<hbm>>) target_semaphore(%run_scoped3A : memref<!tpu.dma_semaphore, #tpu.memory_space<semaphore_mem>>)
      %dma_wait3A_59 = arith.constant 0 : i32
      %dma_wait3A_60 = tpu.memref_slice %arg4[%add3A, %dma_wait3A_59] : memref<32x40000xf32, #tpu.memory_space<hbm>> -> memref<1x40000xf32, #tpu.memory_space<hbm>>
      %dma_wait3A_61 = tpu.memref_squeeze %dma_wait3A_60 : memref<1x40000xf32, #tpu.memory_space<hbm>> -> memref<40000xf32, #tpu.memory_space<hbm>>
      %dma_wait3A_62 = arith.constant 0 : i32
      %dma_wait3A_63 = tpu.memref_slice %arg4[%add3A, %dma_wait3A_62] : memref<32x40000xf32, #tpu.memory_space<hbm>> -> memref<1x40000xf32, #tpu.memory_space<hbm>>
      %dma_wait3A_64 = tpu.memref_squeeze %dma_wait3A_63 : memref<1x40000xf32, #tpu.memory_space<hbm>> -> memref<40000xf32, #tpu.memory_space<hbm>>
      tpu.wait_dma2 semaphore(%run_scoped3A : memref<!tpu.dma_semaphore, #tpu.memory_space<semaphore_mem>>) src(%arg7 : memref<40000xf32, #tpu.memory_space<vmem>>) dst(%dma_wait3A_64 : memref<40000xf32, #tpu.memory_space<hbm>>)
      tpu.yield
    }) : () -> ()
    return
  }
}

</mosaic_0001>

<sc_bundles>
// kernel: kernel.3.cloned.1.call-start
scs
__scs_entry_jumppad:
0x0: {  	(pc) =	sbr.rel $0x88, $3  }
0x1: {  	(tag) =	ssettag $0x0;
	lr =	simm.s32 $0x1  }
0x2: {  	[smem:$0x3F9E] =	sst lr;
	_ =	strace $0xD0000000  }
0x3: {  	_ = 	snop  }
0x4: {  	_ = 	snop  }
0x5: {  	_ = 	snop  }
0x6: {  	_ = 	snop  }
0x7: {  	_ = 	snop  }
__scs_overlays_trampoline_lowered:
0x8: {  	[smem:$0x3FAD] =	sst s0  }
0x9: {  	[smem:$0x3FAE] =	sst s1  }
0xa: {  	[smem:$0x3FAF] =	sst s2  }
0xb: {  	[smem:$0x3FB0] =	sst s3  }
0xc: {  	[smem:$0x3FB1] =	sst s4  }
0xd: {  	[smem:$0x3FB2] =	sst s5  }
0xe: {  	[smem:$0x3FB3] =	sst s6  }
0xf: {  	[smem:$0x3FB4] =	sst s7  }
0x10: {  	[smem:$0x3FB5] =	sst s8  }
0x11: {  	[smem:$0x3FB6] =	sst s9;
	s0 =	simm.s32 @!p0 $0x0  }
0x12: {  	s1 =	sld [smem:$0x3F9C];
	s0 =	simm.s32 @p0 $0x1  }
0x13: {  	[smem:$0x3FB7] =	sst s0;
	s0 =	simm.s32 @!p1 $0x0  }
0x14: {  	s2 =	sld [smem:$0x3F9B];
	s0 =	simm.s32 @p1 $0x1  }
0x15: {  	[smem:$0x3FB8] =	sst s0;
	s0 =	simm.s32 @!p2 $0x0  }
0x16: {  	s3 =	sld [smem:$0x3FDB];
	s0 =	simm.s32 @p2 $0x1  }
0x17: {  	s4 =	simm.s32 $0x1BF5;
	[smem:$0x3FBA] =	sst s0  }
0x18: {  	s0 =	sld [smem:$0x3F9D];
	_ =	swait.ge [sflag:s4], $0x0  }
0x19: {  	s7 =	sld [smem:$0x3F9E]  }
0x1a: {  	s8 =	sadd.s32 $0xFFFFE003, lr  }
0x1b: {  	s9 =	sadd.s32 $0xFFFFFEF7, lr;
	s5 =	simm.s32 $0xFFFFFFFF;
	p2 =	slt.u32 s8, $0xFFFFF086  }
0x1c: {  	p1 =	slt.u32 s9, $0xF7A;
	s5 =	simm.s32 @!p2 $0x0  }
0x1d: {  	s5 =	simm.s32 @p1 $0x1;
	p0 =	seq.s32 s7, s2  }
0x1e: {  	s7 =	smul.u32 @!p0 $0xF7A, s2;
	p2 =	seq.s32 @!p0 s5, $0x0  }
0x1f: {  	s9 =	smul.u32 $0xF7A, s1;
	s8 =	simm.s32 @!p0 $0x1BF5;
	p2 =	por !p2, p0  }
0x20: {  	[sflag:s8] =	ssyncset.s32 @!p0 $0xFFFFF086;
	s6 =	sadd.s32 @!p0 s3, s7;
	s7 =	simm.s32 @!p0 $0x108  }
0x21: {  	s3 =	sadd.s32 s3, s9;
	s6 =	sadd.s32 @!p0 $0x88, s6;
	s7 =	simm.s32 @p2 $0x1082  }
0x22: {  	[simem:s7], [sflag:s8] =	dma.local @!p0 [hbm:s6], $0xF7A  }
0x23: {  	s9 =	sor.u32 $0xD0000000, s2;
	s6 =	simm.s32 $0x108;
	_ =	swait.ge @!p0 [sflag:s8], $0x0  }
0x24: {  	s3 =	sadd.s32 $0x88, s3;
	s6 =	simm.s32 @!p1 $0x1082;
	[sflag:s4] =	ssyncset.s32 $0xFFFFF086  }
0x25: {  	[simem:s6], [sflag:s4] =	dma.local [hbm:s3], $0xF7A  }
0x26: {  	[smem:$0x3F9E] =	sst s1;
	(tag) =	ssettag s2;
	_ =	strace s9  }
0x27: {  	s1 =	sld [smem:$0x3FAE]  }
0x28: {  	s2 =	sld [smem:$0x3FAF]  }
0x29: {  	s4 =	sld [smem:$0x3FB1]  }
0x2a: {  	p0 =	seq.s32 s5, $0x0;
	s5 =	sld [smem:$0x3FB2]  }
0x2b: {  	s6 =	sld [smem:$0x3FB3]  }
0x2c: {  	s7 =	sld [smem:$0x3FB4]  }
0x2d: {  	s3 =	simm.s32 $0x108;
	s8 =	sld [smem:$0x3FB5]  }
0x2e: {  	s3 =	simm.s32 @!p0 $0x1082;
	s9 =	sld [smem:$0x3FB6]  }
0x2f: {  	lr =	sadd.s32 s0, s3;
	s0 =	sld [smem:$0x3FAD]  }
0x30: {  	s3 =	sld [smem:$0x3FB0]  }
0x31: {  	[smem:$0x3FB9] =	sst s10  }
0x32: {  	s10 =	sld [smem:$0x3FB7];
	_ =	sdelay $0x3  }
0x33: {  	p0 =	seq.s32 s10, $0x1;
	s10 =	sld [smem:$0x3FB9];
	_ =	sdelay $0x3  }
0x34: {  	[smem:$0x3FB9] =	sst s10  }
0x35: {  	s10 =	sld [smem:$0x3FB8];
	_ =	sdelay $0x3  }
0x36: {  	p1 =	seq.s32 s10, $0x1;
	s10 =	sld [smem:$0x3FB9];
	_ =	sdelay $0x3  }
0x37: {  	[smem:$0x3FB9] =	sst s10  }
0x38: {  	s10 =	sld [smem:$0x3FBA]  }
0x39: {  	_ = 	snop;
	(pc) =	sbr.ind lr, $3  }
0x3a: {  	_ = 	snop  }
0x3b: {  	_ = 	snop  }
0x3c: {  	p2 =	seq.s32 s10, $0x1;
	s10 =	sld [smem:$0x3FB9]  }
0x3d: {  	_ =	shalt  }
0x3e: {  	_ =	shalt  }
0x3f: {  	_ =	shalt  }
0x40: {  	_ =	shalt  }
0x41: {  	_ =	shalt  }
0x42: {  	_ =	shalt  }
0x43: {  	_ =	shalt  }
0x44: {  	_ =	shalt  }
0x45: {  	_ =	shalt  }
0x46: {  	_ =	shalt  }
0x47: {  	_ =	shalt  }
0x48: {  	_ =	shalt  }
0x49: {  	_ =	shalt  }
0x4a: {  	_ =	shalt  }
0x4b: {  	_ =	shalt  }
0x4c: {  	_ =	shalt  }
0x4d: {  	_ =	shalt  }
0x4e: {  	_ =	shalt  }
0x4f: {  	_ =	shalt  }
0x50: {  	_ =	shalt  }
0x51: {  	_ =	shalt  }
0x52: {  	_ =	shalt  }
0x53: {  	_ =	shalt  }
0x54: {  	_ =	shalt  }
0x55: {  	_ =	shalt  }
0x56: {  	_ =	shalt  }
0x57: {  	_ =	shalt  }
0x58: {  	_ =	shalt  }
0x59: {  	_ =	shalt  }
0x5a: {  	_ =	shalt  }
0x5b: {  	_ =	shalt  }
0x5c: {  	_ =	shalt  }
0x5d: {  	_ =	shalt  }
0x5e: {  	_ =	shalt  }
0x5f: {  	_ =	shalt  }
0x60: {  	_ =	shalt  }
0x61: {  	_ =	shalt  }
0x62: {  	_ =	shalt  }
0x63: {  	_ =	shalt  }
0x64: {  	_ =	shalt  }
0x65: {  	_ =	shalt  }
0x66: {  	_ =	shalt  }
0x67: {  	_ =	shalt  }
0x68: {  	_ =	shalt  }
0x69: {  	_ =	shalt  }
0x6a: {  	_ =	shalt  }
0x6b: {  	_ =	shalt  }
0x6c: {  	_ =	shalt  }
0x6d: {  	_ =	shalt  }
0x6e: {  	_ =	shalt  }
0x6f: {  	_ =	shalt  }
0x70: {  	_ =	shalt  }
0x71: {  	_ =	shalt  }
0x72: {  	_ =	shalt  }
0x73: {  	_ =	shalt  }
0x74: {  	_ =	shalt  }
0x75: {  	_ =	shalt  }
0x76: {  	_ =	shalt  }
0x77: {  	_ =	shalt  }
0x78: {  	_ =	shalt  }
0x79: {  	_ =	shalt  }
0x7a: {  	_ =	shalt  }
0x7b: {  	_ =	shalt  }
0x7c: {  	_ =	shalt  }
0x7d: {  	_ =	shalt  }
0x7e: {  	_ =	shalt  }
0x7f: {  	_ =	shalt  }
0x80: {  	_ =	shalt  }
0x81: {  	_ =	shalt  }
0x82: {  	_ =	shalt  }
0x83: {  	_ =	shalt  }
0x84: {  	_ =	shalt  }
0x85: {  	_ =	shalt  }
0x86: {  	_ =	shalt  }
0x87: {  	_ =	shalt  }
.Lfunc_end0:
.L_simem_size_0:
called_computation_lowered:
.L_overlay_start_0:
0x88: {  	s2 =	sld [smem:$0x3FD9]  }
0x89: {  	s3 =	sld [smem:$0x3FFE];
	_ =	sdelay $0x1  }
0x8a: {  	s1 =	srdreg.scid  }
0x8b: {  	s0 =	sand.u32 $0x1, s1  }
0x8c: {  	s17 =	sshll.u32 s0, $0xA;
	s2 =	sadd.s32 s3, s2  }
0x8d: {  	s2 =	sadd.s32 s2, s17  }
0x8e: {  	[smem:$0x3FC5] =	sst s2  }
0x8f: {  	_ = 	snop  }
0x90: {  	s2 =	sld [smem:$0x3FD0];
	(tm) =	ssettm $0x1  }
0x91: {  	s18 =	sld [smem:$0x3FFB];
	_ =	sdelay $0x3  }
0x92: {  	_ =	strace s18  }
0x93: {  	s3 =	sld [smem:$0x3FFC];
	_ =	sdelay $0x3  }
0x94: {  	_ =	strace s3  }
0x95: {  	s3 =	sld [smem:$0x3FFD];
	_ =	sdelay $0x3  }
0x96: {  	_ =	strace s3  }
0x97: {  	_ =	strace $0x8FFFFFFF  }
0x98: {  	s19 =	sld [smem:$0x3FDB];
	_ =	sdelay $0x1  }
0x99: {  	s4 =	simm.s32 $_scs_section_size  }
0x9a: {  	s5 =	simm.s32 $_size__tile_overlayer_lowered;
	s6 =	simm.s32 $_tile_overlayer_lowered  }
0x9b: {  	s22 =	simm.s32 $0x1BFF;
	s21 =	sshll.u32 s6, $0x1;
	s3 =	sadd.s32 s4, s19  }
0x9c: {  	s7 =	simm.s32 $0x0;
	s20 =	sshll.u32 s5, $0x1;
	s5 =	sadd.s32 s21, s3  }
0x9d: {  	[timem:s7], [sflag:s22] =	dma.local [hbm:s5], s20  }
0x9e: {  	_ =	swait.ge [sflag:s22], s20  }
0x9f: {  	s4 =	ssub.s32 $0x0, s20;
	[sflag:s22] =	ssyncset.done $0x0  }
0xa0: {  	[sflag:s22] =	ssyncadd.s32 s4;
	_ =	sdelay $0x1  }
0xa1: {  	s23 =	simm.s32 $0x1B8B  }
0xa2: {  	_ =	swait.ge [sflag:s23], $0x1  }
0xa3: {  	[sflag:s23] =	ssyncset.done $0x0  }
0xa4: {  	s25 =	simm.s32 $0x1B8E;
	s24 =	sld [smem:$0x3FFE];
	[sflag:s23] =	ssyncadd.s32 $0xFFFFFFFF  }
0xa5: {  	s26 =	simm.s32 $execute0_lowered;
	[smem:$0x3FD2] =	sst s25  }
0xa6: {  	s5 =	sshll.u32 s26, $0x1;
	_ =	strace $0x80000046;
	[dreg:$0x1] =	wrdreg $0xFFFFFFFF  }
0xa7: {  	s28 =	simm.s32 $_size_execute0_lowered;
	s3 =	sadd.s32 s3, s5;
	[dreg:$0x0] =	wrdreg $0x0  }
0xa8: {  	s5 =	sshll.u32 s28, $0x1;
	[dreg:$0x2] =	wrdreg s3  }
0xa9: {  	[dreg:$0x3] =	wrdreg s5  }
0xaa: {  	[dreg:$0x4] =	wrdreg $0xC0  }
0xab: {  	_ =	task [dreg:s7], $0x5FFFF  }
0xac: {  	[dreg:$0x1] =	wrdreg $0xFFFFFFFF  }
0xad: {  	[dreg:$0x0] =	wrdreg $0x60  }
0xae: {  	[dreg:$0x2] =	wrdreg s24  }
0xaf: {  	[dreg:$0x3] =	wrdreg s2  }
0xb0: {  	[dreg:$0x4] =	wrdreg $0x9  }
0xb1: {  	_ =	task.clear_ibuf [dreg:s7], $0x5FFFF;
	_ =	strace $0x90000046  }
0xb2: {  	s29 =	simm.s32 $0x9;
	_ =	strace $0x80000048  }
0xb3: {  	_ =	swait.ge [sflag:s29], $0x1  }
0xb4: {  	[sflag:s29] =	ssyncadd.s32 $0xFFFFFFFF  }
0xb5: {  	_ =	strace $0x90000048  }
0xb6: {  	_ =	sfence  }
0xb7: {  	s30 =	sld [smem:$0x0];
	_ =	sdelay $0x2  }
0xb8: {  	s31 =	sshll.u32 s1, $0xD;
	s1 =	sshrl.u32 s1, $0x2  }
0xb9: {  	s3 =	sand.u32 $0x4000, s31;
	s1 =	sadd.s32 s1, s30  }
0xba: {  	s0 =	sor.u32 s3, s0;
	s1 =	sshll.u32 s1, $0x11  }
0xbb: {  	s0 =	sor.u32 s1, s0  }
0xbc: {  	s0 =	sadd.s32 $0x8F2B, s0  }
0xbd: {  	[sflag:s0] =	ssyncadd.remote.s32 $0x1  }
0xbe: {  	_ =	sfence.sel $0xFFFF  }
0xbf: {  	[dreg:$0x0] =	wrdreg $0xFFFFFFFF;
	(pc) =	sbr.abs _section_cstart, $3  }
0xc0: {  	[dreg:$0x1] =	wrdreg $0xFFFFFFFF  }
0xc1: {  	_ =	task.clear_ibuf [dreg:s7], $0x2FFFF;
	_ =	strace $0x9FFFFFFF  }
0xc2: {  	(tm) =	ssettm $0x7FFFFFFF  }
0xc3: {  	_ =	shalt  }
tec
execute0_lowered:
.L_overlay_start_1:
0x0: {  	(tag) =	ssettag $0x1  }
0x1: {  	s5 =	rddreg [dreg:$0x0]  }
0x2: {  	s0 =	srdreg.scid;
	s2 =	rddreg [dreg:$0x1]  }
0x3: {  	s3 =	simm.s32 $0x0;
	s11 =	simm.s32 $0x400;
	s12 =	simm.s32 $0x9D00  }
0x4: {  	s13 =	simm.s32 $0x3;
	s14 =	simm.s32 $0x18800;
	s15 =	simm.s32 $0x1  }
0x5: {  	s16 =	simm.s32 $0x1A100;
	s17 =	simm.s32 $0x13980;
	s18 =	simm.s32 $0x4E80  }
0x6: {  	s19 =	simm.s32 $0x2;
	s20 =	simm.s32 $0x0;
	s4 =	sand.u32 $0x1, s0  }
0x7: {  	s0 =	stileid.u32;
	[smem:$0x7FF] =	sst s3;
	s1 =	sshll.u32 s4, $0x4  }
0x8: {  	s9 =	sshll.u32 s0, $0x7;
	s4 =	ssub.s32 $0x2, s4;
	s6 =	sor.u32 s0, s1  }
0x9: {  	s1 =	rddreg [dreg:$0x2];
	s7 =	sshrl.u32 s6, $0x3;
	s8 =	smul.u32 $0x3, s6  }
0xa: {  	s9 =	sand.u32 $0x380, s9;
	_ =	strace $0x80000047;
	s7 =	smul.u32 $0x4E400, s7  }
0xb: {  	s30 =	sshrl.u32 s4, $0x1;
	s6 =	smul.u32 $0x180, s6;
	s10 =	sshrl.u32 s8, $0x3  }
0xc: {  	s31 =	ssub.s32 s4, s30;
	s10 =	smul.u32 $0xC800, s10;
	s7 =	sor.u32 s9, s7  }
0xd: {  	s6 =	sand.u32 $0x380, s6;
	s9 =	smax.u32 s31, $0x1;
	s7 =	sshrl.u32 s7, $0x3  }
0xe: {  	s6 =	sor.u32 s6, s10;
	s29 =	sadd.s32 s7, s5;
	s7 =	sadd.s32 $0x2, s8  }
0xf: {  	s10 =	simm.s32 $0x80;
	s6 =	sshrl.u32 s6, $0x3;
	s4 =	sadd.s32 $0x400, s29  }
0x10: {  	v0 =	vimm.f32 $0.0e+00;
	s5 =	sadd.s32 s2, s6;
	s6 =	sadd.s32 $0x1, s8;
	s8 =	sadd.s32 $0x27600, s29  }
.LBB2_1:
0x11: {  	[tilespmem:s12], [sflag:$0x3] =	stream.strided.gather [hbm4b:s4+s10], $0x9C80, s11, s10, $0x38;
	[tilespmem:$0x1BA00] =	vst v63  }
0x12: {  	_ =	swait.ge [sflag:s13], $0x9C80  }
0x13: {  	[sflag:s13] =	ssyncset.done $0x0  }
0x14: {  	s21 =	simm.s32 $0x0;
	[sflag:s13] =	ssyncadd.s32 $0xFFFF6380  }
0x15: {  	v2 =	vld [tilespmem:s21+$0xEB30]  }
0x16: {  	[tilespmem:s21+$0x0] =	vst v0;
	v3 =	vld [tilespmem:s21+$0x9D00]  }
0x17: {  	v4 =	vld [tilespmem:s21+$0x11240];
	[tilespmem:s21+$0x4E80] =	vst v0  }
0x18: {  	v5 =	vld [tilespmem:s21+$0xC410];
	[tilespmem:s21+$0x2710] =	vst v0  }
0x19: {  	v6 =	vld [tilespmem:s21+$0xEB20];
	[tilespmem:s21+$0x10] =	vst v0  }
0x1a: {  	[tilespmem:s21+$0x7590] =	vst v0;
	v7 =	vld [tilespmem:s21+$0x11230]  }
0x1b: {  	v1 =	vld [tilespmem:s21+$0x9D10];
	[tilespmem:s21+$0x4E90] =	vst v0  }
0x1c: {  	[tilespmem:s21+$0x2720] =	vst v0;
	v4 =	vpack.i.f32.bf16 v4, v2;
	v2 =	vld [tilespmem:s21+$0xC420]  }
0x1d: {  	[tilespmem:s21+$0x75A0] =	vst v0  }
0x1e: {  	v3 =	vpack.i.f32.bf16 v5, v3;
	[tilespmem:s21+$0x160A0] =	vst v4  }
0x1f: {  	s22 =	simm.s32 $0x0;
	s23 =	simm.s32 $0x80;
	[tilespmem:s21+$0x13980] =	vst v3;
	v3 =	vpack.i.f32.bf16 v7, v6  }
.LBB2_2:
0x20: {  	s24 =	sshra.s32 s23, $0x2;
	[tilespmem:s21+$0x16090] =	vst v3  }
0x21: {  	s22 =	sadd.s32 $0x2, s22;
	[tilespmem:s24+$0x0] =	vst v0;
	v3 =	vld [tilespmem:s24+$0xEB30];
	v1 =	vpack.i.f32.bf16 v2, v1  }
0x22: {  	p0 =	slt.u32 s22, $0x26E;
	v2 =	vld [tilespmem:s24+$0x11240];
	[tilespmem:s21+$0x13990] =	vst v1;
	s21 =	smov.u32 s24  }
0x23: {  	v4 =	vld [tilespmem:s21+$0x9D00];
	[tilespmem:s21+$0x4E80] =	vst v0  }
0x24: {  	v5 =	vld [tilespmem:s21+$0xC410];
	[tilespmem:s21+$0x2710] =	vst v0  }
0x25: {  	v6 =	vld [tilespmem:s21+$0xEB20];
	[tilespmem:s21+$0x7590] =	vst v0  }
0x26: {  	v7 =	vld [tilespmem:s21+$0x11230];
	[tilespmem:s21+$0x10] =	vst v0  }
.Ltmp0:
0x27: {  	v1 =	vld [tilespmem:s21+$0x9D10];
	v3 =	vpack.i.f32.bf16 v2, v3;
	[tilespmem:s21+$0x4E90] =	vst v0;
	(pc) =	sbr.rel @p0 .LBB2_2-.Ltmp0, $4  }
0x28: {  	v2 =	vld [tilespmem:s21+$0xC420];
	[tilespmem:s21+$0x160A0] =	vst v3  }
0x29: {  	v3 =	vpack.i.f32.bf16 v5, v4;
	[tilespmem:s21+$0x2720] =	vst v0  }
0x2a: {  	[tilespmem:s21+$0x13980] =	vst v3  }
0x2b: {  	s23 =	sadd.s32 $0x80, s23;
	v3 =	vpack.i.f32.bf16 v7, v6;
	[tilespmem:s21+$0x75A0] =	vst v0  }
0x2c: {  	_ = 	snop  }
0x2d: {  	[tilespmem:s21+$0x16090] =	vst v3;
	v1 =	vpack.i.f32.bf16 v2, v1  }
0x2e: {  	[tilespmem:s21+$0x13990] =	vst v1  }
0x2f: {  	v1 =	vld [tilespmem:$0xC400]  }
0x30: {  	v2 =	vld [tilespmem:$0xEB10]  }
0x31: {  	v3 =	vld [tilespmem:$0x11220]  }
0x32: {  	v4 =	vld [tilespmem:$0x13930]  }
0x33: {  	[tilespmem:$0x2700] =	vst v0  }
0x34: {  	[tilespmem:$0x7580] =	vst v0  }
0x35: {  	[tilespmem:$0x4E10] =	vst v0  }
0x36: {  	[tilespmem:$0x9C90] =	vst v0;
	v1 =	vpack.i.f32.bf16 v2, v1  }
0x37: {  	[tilespmem:$0x16080] =	vst v1;
	v1 =	vpack.i.f32.bf16 v4, v3  }
0x38: {  	s22 =	simm.s32 $0x0;
	s21 =	simm.s32 $0x0;
	[tilespmem:$0x18790] =	vst v1  }
0x39: {  	[tilespmem:s14], [sflag:$0x1] =	stream.strided.gather [hbm4b:s5+s10], $0x1900, s11, s10, $0x38;
	[tilespmem:$0x1BA00] =	vst v63  }
.LBB2_4:
0x3a: {  	s23 =	sshll.u32 s22, $0x1  }
0x3b: {  	s24 =	sadd.s32 s23, s6  }
0x3c: {  	s25 =	smulhi.u32 $0x51EB851F, s24;
	_ =	sdelay $0x1  }
0x3d: {  	s25 =	sshrl.u32 s25, $0x5  }
0x3e: {  	s25 =	smul.u32 $0x64, s25;
	_ =	sdelay $0x1  }
0x3f: {  	s24 =	ssub.s32 s24, s25  }
0x40: {  	s25 =	sshrl.u32 s24, $0x3  }
0x41: {  	s24 =	sshll.u32 s24, $0x7;
	s25 =	smul.u32 $0xC800, s25  }
0x42: {  	s24 =	sand.u32 $0x380, s24  }
0x43: {  	_ =	swait.ge [sflag:s15], $0x1900;
	s24 =	sor.u32 s24, s25  }
0x44: {  	[sflag:s15] =	ssyncset.done $0x0;
	s24 =	sshrl.u32 s24, $0x3  }
0x45: {  	s29 =	simm.s32 $0x18800;
	[sflag:s15] =	ssyncadd.s32 $0xFFFFE700;
	s24 =	sadd.s32 s2, s24  }
0x46: {  	[tilespmem:s16], [sflag:$0x2] =	stream.strided.gather [hbm4b:s24+s10], $0x1900, s11, s10, $0x38;
	[tilespmem:$0x1BA00] =	vst v63  }
0x47: {  	v1 =	vld [tilespmem:s29+$0x30];
	_ =	sdelay $0x2  }
0x48: {  	v2 =	vld [tilespmem:s29+$0x0]  }
0x49: {  	v3 =	vld [tilespmem:s29+$0x10]  }
0x4a: {  	v5 =	vld [tilespmem:s29+$0x20];
	v4 =	vand.u32 $0xFFFF, v1;
	_ =	sdelay $0x1  }
0x4b: {  	s30 =	sand.u32 $0xFC0, s21  }
0x4c: {  	v7 =	vld [tilespmem:s30+$0x19480];
	v6 =	vand.u32 $0xFFFF, v2  }
0x4d: {  	v11 =	vld [tilespmem:s29+$0xCB0];
	v8 =	vand.u32 $0xFFFF, v3  }
0x4e: {  	v10 =	vand.u32 $0xFFFF, v5;
	v9 =	vld.idx.msk [tilespmem:v4+s17+$0x0], $0xffff  }
0x4f: {  	v12 =	vld [tilespmem:s29+$0xC90]  }
0x50: {  	v15 =	vld [tilespmem:s29+$0xCA0]  }
0x51: {  	v14 =	vshrl.u32 v1, $0x10;
	v13 =	vld.idx.msk [tilespmem:v6+s17+$0x0], $0xffff  }
0x52: {  	s31 =	simm.s32 $0x40;
	v16 =	vld.idx.msk [tilespmem:v8+s17+$0x0], $0xffff  }
0x53: {  	s24 =	sand.u32 $0xFC0, s31;
	v4 =	vadd.s32 $0x2710, v4;
	v17 =	vld.idx.msk [tilespmem:v10+s17+$0x0], $0xffff;
	v1 =	vunpack.i.l.bf16.f32 v9  }
0x54: {  	v2 =	vshrl.u32 v2, $0x10;
	v9 =	vunpack.i.u.bf16.f32 v9;
	v18 =	vmul.f32 v1, v11;
	v1 =	vld [tilespmem:s24+$0x19480];
	s24 =	simm.s32 $0x18840  }
0x55: {  	v9 =	vmul.f32 v9, v11;
	v21 =	vld [tilespmem:s24+$0x30]  }
0x56: {  	v3 =	vshrl.u32 v3, $0x10;
	v19 =	vunpack.i.l.bf16.f32 v13;
	[tilespmem:v14+s3+$0x0] =	vst.idx.add.f32.msk $0xffff, v18  }
0x57: {  	v6 =	vadd.s32 $0x2710, v6;
	v13 =	vunpack.i.u.bf16.f32 v13;
	v18 =	vmul.f32 v19, v7;
	[tilespmem:v14+s18+$0x0] =	vst.idx.add.f32.msk $0xffff, v9  }
0x58: {  	v13 =	vmul.f32 v13, v7;
	v9 =	vunpack.i.l.bf16.f32 v16;
	v4 =	vld.idx.msk [tilespmem:v4+s17+$0x0], $0xffff  }
0x59: {  	v5 =	vshrl.u32 v5, $0x10;
	v9 =	vmul.f32 v9, v12;
	[tilespmem:v2+s3+$0x0] =	vst.idx.add.f32.msk $0xffff, v18  }
0x5a: {  	v16 =	vunpack.i.u.bf16.f32 v16;
	[tilespmem:v2+s18+$0x0] =	vst.idx.add.f32.msk $0xffff, v13  }
0x5b: {  	v16 =	vmul.f32 v16, v12;
	v18 =	vunpack.i.l.bf16.f32 v17;
	[tilespmem:v3+s3+$0x0] =	vst.idx.add.f32.msk $0xffff, v9  }
0x5c: {  	v8 =	vadd.s32 $0x2710, v8;
	v13 =	vunpack.i.u.bf16.f32 v17;
	v17 =	vmul.f32 v18, v15;
	v6 =	vld.idx.msk [tilespmem:v6+s17+$0x0], $0xffff  }
0x5d: {  	v9 =	vmul.f32 v13, v15;
	v13 =	vadd.s32 $0x2710, v14;
	[tilespmem:v3+s18+$0x0] =	vst.idx.add.f32.msk $0xffff, v16  }
0x5e: {  	[tilespmem:v5+s3+$0x0] =	vst.idx.add.f32.msk $0xffff, v17  }
0x5f: {  	[tilespmem:v5+s18+$0x0] =	vst.idx.add.f32.msk $0xffff, v9;
	v9 =	vunpack.i.l.bf16.f32 v4  }
0x60: {  	v22 =	vadd.s32 $0x2710, v3;
	v3 =	vld [tilespmem:s24+$0xC90];
	v9 =	vmul.f32 v9, v11  }
0x61: {  	v8 =	vld.idx.msk [tilespmem:v8+s17+$0x0], $0xffff;
	v4 =	vunpack.i.u.bf16.f32 v4  }
0x62: {  	v23 =	vand.u32 $0xFFFF, v21;
	v4 =	vmul.f32 v4, v11;
	[tilespmem:v13+s3+$0x0] =	vst.idx.add.f32.msk $0xffff, v9  }
0x63: {  	v9 =	vld [tilespmem:s24+$0x10]  }
0x64: {  	[tilespmem:v13+s18+$0x0] =	vst.idx.add.f32.msk $0xffff, v4  }
0x65: {  	v4 =	vadd.s32 $0x2710, v10;
	v13 =	vld [tilespmem:s24+$0x0]  }
0x66: {  	v11 =	vld [tilespmem:s24+$0x20];
	v10 =	vadd.s32 $0x2710, v2;
	v16 =	vunpack.i.l.bf16.f32 v8  }
0x67: {  	v19 =	vld.idx.msk [tilespmem:v23+s17+$0x0], $0xffff;
	v2 =	vunpack.i.l.bf16.f32 v6;
	v16 =	vmul.f32 v16, v12  }
0x68: {  	v6 =	vunpack.i.u.bf16.f32 v6;
	v14 =	vmul.f32 v2, v7;
	v2 =	vld [tilespmem:s24+$0xCA0]  }
0x69: {  	v6 =	vmul.f32 v6, v7;
	[tilespmem:v22+s3+$0x0] =	vst.idx.add.f32.msk $0xffff, v16;
	v7 =	vand.u32 $0xFFFF, v9  }
0x6a: {  	v4 =	vld.idx.msk [tilespmem:v4+s17+$0x0], $0xffff;
	v17 =	vand.u32 $0xFFFF, v13  }
0x6b: {  	v8 =	vunpack.i.u.bf16.f32 v8;
	v18 =	vand.u32 $0xFFFF, v11;
	[tilespmem:v10+s3+$0x0] =	vst.idx.add.f32.msk $0xffff, v14  }
0x6c: {  	v24 =	vmul.f32 v8, v12;
	[tilespmem:v10+s18+$0x0] =	vst.idx.add.f32.msk $0xffff, v6  }
0x6d: {  	v6 =	vadd.s32 $0x2710, v5;
	v10 =	vshrl.u32 v9, $0x10;
	v9 =	vshrl.u32 v11, $0x10;
	v11 =	vld [tilespmem:s24+$0xCB0]  }
0x6e: {  	v8 =	vadd.s32 $0x2710, v7;
	v14 =	vshrl.u32 v13, $0x10;
	v12 =	vadd.s32 $0x2710, v17;
	v16 =	vld.idx.msk [tilespmem:v7+s17+$0x0], $0xffff  }
0x6f: {  	v7 =	vadd.s32 $0x2710, v18;
	v13 =	vunpack.i.l.bf16.f32 v4;
	v20 =	vld.idx.msk [tilespmem:v17+s17+$0x0], $0xffff;
	v25 =	vunpack.i.u.bf16.f32 v4  }
0x70: {  	v17 =	vld.idx.msk [tilespmem:v18+s17+$0x0], $0xffff;
	v26 =	vmul.f32 v13, v15;
	v18 =	vmul.f32 v25, v15;
	v15 =	vshrl.u32 v21, $0x10  }
0x71: {  	[tilespmem:v22+s18+$0x0] =	vst.idx.add.f32.msk $0xffff, v24;
	v22 =	vunpack.i.l.bf16.f32 v19;
	v5 =	vadd.s32 $0x2710, v14  }
0x72: {  	s26 =	simm.s32 $0x80;
	s25 =	simm.s32 $0x4;
	v4 =	vadd.s32 $0x2710, v10;
	v13 =	vadd.s32 $0x2710, v9;
	v21 =	vadd.s32 $0x2710, v23;
	[tilespmem:v6+s3+$0x0] =	vst.idx.add.f32.msk $0xffff, v26  }
.LBB2_5:
0x73: {  	s28 =	sand.u32 $0xFC0, s26;
	v23 =	vunpack.i.u.bf16.f32 v16;
	v19 =	vunpack.i.u.bf16.f32 v19;
	v22 =	vmul.f32 v22, v11;
	[tilespmem:v6+s18+$0x0] =	vst.idx.add.f32.msk $0xffff, v18;
	v6 =	vmovc v13  }
0x74: {  	v16 =	vunpack.i.l.bf16.f32 v16;
	v13 =	vld [tilespmem:s28+$0x19480];
	v18 =	vmul.f32 v23, v3;
	v19 =	vmul.f32 v19, v11  }
0x75: {  	v23 =	vunpack.i.u.bf16.f32 v20;
	v20 =	vunpack.i.l.bf16.f32 v20;
	v16 =	vmul.f32 v16, v3;
	[tilespmem:v15+s3+$0x0] =	vst.idx.add.f32.msk $0xffff, v22  }
0x76: {  	v20 =	vmul.f32 v20, v1;
	v22 =	vunpack.i.u.bf16.f32 v17;
	v17 =	vunpack.i.l.bf16.f32 v17;
	[tilespmem:v15+s18+$0x0] =	vst.idx.add.f32.msk $0xffff, v19  }
0x77: {  	v19 =	vmul.f32 v23, v1;
	v17 =	vmul.f32 v17, v2;
	v21 =	vld.idx.msk [tilespmem:v21+s17+$0x0], $0xffff  }
0x78: {  	[tilespmem:v14+s3+$0x0] =	vst.idx.add.f32.msk $0xffff, v20;
	v20 =	vmul.f32 v22, v2  }
0x79: {  	[tilespmem:v14+s18+$0x0] =	vst.idx.add.f32.msk $0xffff, v19  }
0x7a: {  	[tilespmem:v10+s3+$0x0] =	vst.idx.add.f32.msk $0xffff, v16  }
0x7b: {  	[tilespmem:v10+s18+$0x0] =	vst.idx.add.f32.msk $0xffff, v18;
	v10 =	vadd.s32 $0x2710, v15  }
0x7c: {  	[tilespmem:v9+s3+$0x0] =	vst.idx.add.f32.msk $0xffff, v17  }
0x7d: {  	[tilespmem:v9+s18+$0x0] =	vst.idx.add.f32.msk $0xffff, v20;
	v9 =	vunpack.i.l.bf16.f32 v21  }
0x7e: {  	v14 =	vunpack.i.u.bf16.f32 v21;
	v12 =	vld.idx.msk [tilespmem:v12+s17+$0x0], $0xffff;
	v9 =	vmul.f32 v9, v11  }
0x7f: {  	v11 =	vmul.f32 v14, v11;
	v8 =	vld.idx.msk [tilespmem:v8+s17+$0x0], $0xffff  }
0x80: {  	[tilespmem:v10+s3+$0x0] =	vst.idx.add.f32.msk $0xffff, v9  }
0x81: {  	s24 =	sadd.s32 $0x40, s24;
	[tilespmem:v10+s18+$0x0] =	vst.idx.add.f32.msk $0xffff, v11  }
0x82: {  	v15 =	vld [tilespmem:s24+$0x30]  }
0x83: {  	v9 =	vld [tilespmem:s24+$0x10]  }
0x84: {  	s25 =	sadd.s32 $0x4, s25;
	v10 =	vunpack.i.u.bf16.f32 v12;
	v12 =	vunpack.i.l.bf16.f32 v12;
	v11 =	vld [tilespmem:s24+$0x20]  }
0x85: {  	p0 =	slt.u32 s25, $0xC4;
	v12 =	vmul.f32 v12, v1;
	v16 =	vunpack.i.u.bf16.f32 v8;
	v8 =	vunpack.i.l.bf16.f32 v8;
	v14 =	vld [tilespmem:s24+$0x0]  }
0x86: {  	v18 =	vmul.f32 v10, v1;
	v1 =	vmov v13;
	v19 =	vmul.f32 v8, v3;
	v17 =	vld [tilespmem:s24+$0xC90]  }
0x87: {  	v22 =	vmul.f32 v16, v3;
	v21 =	vld [tilespmem:s24+$0xCA0];
	v23 =	vand.u32 $0xFFFF, v15  }
0x88: {  	v16 =	vand.u32 $0xFFFF, v9;
	v10 =	vshrl.u32 v9, $0x10;
	v20 =	vld.idx.msk [tilespmem:v7+s17+$0x0], $0xffff  }
0x89: {  	v8 =	vadd.s32 $0x2710, v16;
	v24 =	vand.u32 $0xFFFF, v11;
	v9 =	vshrl.u32 v11, $0x10;
	[tilespmem:v5+s3+$0x0] =	vst.idx.add.f32.msk $0xffff, v12  }
0x8a: {  	v25 =	vand.u32 $0xFFFF, v14;
	v14 =	vshrl.u32 v14, $0x10;
	v7 =	vadd.s32 $0x2710, v24;
	[tilespmem:v5+s18+$0x0] =	vst.idx.add.f32.msk $0xffff, v18  }
0x8b: {  	v26 =	vadd.s32 $0x2710, v10;
	v12 =	vadd.s32 $0x2710, v25;
	v5 =	vadd.s32 $0x2710, v14;
	[tilespmem:v4+s3+$0x0] =	vst.idx.add.f32.msk $0xffff, v19;
	v3 =	vmovc v17  }
0x8c: {  	v13 =	vadd.s32 $0x2710, v9;
	v19 =	vld.idx.msk [tilespmem:v23+s17+$0x0], $0xffff  }
0x8d: {  	v16 =	vld.idx.msk [tilespmem:v16+s17+$0x0], $0xffff  }
.Ltmp1:
0x8e: {  	v17 =	vunpack.i.u.bf16.f32 v20;
	v18 =	vunpack.i.l.bf16.f32 v20;
	v11 =	vld [tilespmem:s24+$0xCB0];
	(pc) =	sbr.rel @p0 .LBB2_5-.Ltmp1, $4  }
0x8f: {  	v20 =	vld.idx.msk [tilespmem:v25+s17+$0x0], $0xffff;
	v25 =	vmul.f32 v18, v2;
	v18 =	vmul.f32 v17, v2;
	v2 =	vmov v21  }
0x90: {  	v15 =	vshrl.u32 v15, $0x10;
	v17 =	vld.idx.msk [tilespmem:v24+s17+$0x0], $0xffff  }
0x91: {  	[tilespmem:v4+s18+$0x0] =	vst.idx.add.f32.msk $0xffff, v22;
	v4 =	vmov v26  }
0x92: {  	s26 =	sadd.s32 $0x40, s26;
	v21 =	vadd.s32 $0x2710, v23;
	v22 =	vunpack.i.l.bf16.f32 v19;
	[tilespmem:v6+s3+$0x0] =	vst.idx.add.f32.msk $0xffff, v25  }
0x93: {  	_ =	sdelay $0x1  }
0x94: {  	v19 =	vunpack.i.u.bf16.f32 v19;
	v22 =	vmul.f32 v22, v11  }
0x95: {  	v19 =	vmul.f32 v19, v11  }
0x96: {  	v23 =	vunpack.i.l.bf16.f32 v20;
	[tilespmem:v15+s3+$0x0] =	vst.idx.add.f32.msk $0xffff, v22  }
0x97: {  	v20 =	vunpack.i.u.bf16.f32 v20;
	v22 =	vmul.f32 v23, v1;
	[tilespmem:v15+s18+$0x0] =	vst.idx.add.f32.msk $0xffff, v19  }
0x98: {  	v20 =	vmul.f32 v20, v1;
	v19 =	vunpack.i.l.bf16.f32 v16;
	v21 =	vld.idx.msk [tilespmem:v21+s17+$0x0], $0xffff  }
0x99: {  	v19 =	vmul.f32 v19, v3;
	[tilespmem:v14+s3+$0x0] =	vst.idx.add.f32.msk $0xffff, v22  }
0x9a: {  	v16 =	vunpack.i.u.bf16.f32 v16;
	[tilespmem:v14+s18+$0x0] =	vst.idx.add.f32.msk $0xffff, v20  }
0x9b: {  	v16 =	vmul.f32 v16, v3;
	v14 =	vunpack.i.l.bf16.f32 v17;
	[tilespmem:v10+s3+$0x0] =	vst.idx.add.f32.msk $0xffff, v19  }
0x9c: {  	v14 =	vmul.f32 v14, v2;
	v12 =	vld.idx.msk [tilespmem:v12+s17+$0x0], $0xffff  }
0x9d: {  	[tilespmem:v10+s18+$0x0] =	vst.idx.add.f32.msk $0xffff, v16;
	v10 =	vunpack.i.u.bf16.f32 v17  }
0x9e: {  	v15 =	vadd.s32 $0x2710, v15;
	v10 =	vmul.f32 v10, v2;
	[tilespmem:v9+s3+$0x0] =	vst.idx.add.f32.msk $0xffff, v14  }
0x9f: {  	v8 =	vld.idx.msk [tilespmem:v8+s17+$0x0], $0xffff  }
0xa0: {  	[tilespmem:v9+s18+$0x0] =	vst.idx.add.f32.msk $0xffff, v10;
	v9 =	vunpack.i.l.bf16.f32 v21  }
0xa1: {  	s23 =	sadd.s32 s23, s7;
	v10 =	vunpack.i.u.bf16.f32 v21;
	v9 =	vmul.f32 v9, v11;
	v7 =	vld.idx.msk [tilespmem:v7+s17+$0x0], $0xffff  }
0xa2: {  	[tilespmem:v6+s18+$0x0] =	vst.idx.add.f32.msk $0xffff, v18;
	s24 =	smulhi.u32 $0x51EB851F, s23;
	v6 =	vmul.f32 v10, v11;
	v10 =	vunpack.i.l.bf16.f32 v12  }
0xa3: {  	v10 =	vmul.f32 v10, v1;
	[tilespmem:v15+s3+$0x0] =	vst.idx.add.f32.msk $0xffff, v9;
	v9 =	vunpack.i.u.bf16.f32 v12  }
0xa4: {  	s24 =	sshrl.u32 s24, $0x5;
	[tilespmem:v15+s18+$0x0] =	vst.idx.add.f32.msk $0xffff, v6;
	v6 =	vunpack.i.l.bf16.f32 v8;
	v1 =	vmul.f32 v9, v1  }
0xa5: {  	s24 =	smul.u32 $0x64, s24;
	v8 =	vunpack.i.u.bf16.f32 v8;
	[tilespmem:v5+s3+$0x0] =	vst.idx.add.f32.msk $0xffff, v10;
	v6 =	vmul.f32 v6, v3  }
0xa6: {  	v3 =	vmul.f32 v8, v3;
	[tilespmem:v5+s18+$0x0] =	vst.idx.add.f32.msk $0xffff, v1;
	v1 =	vunpack.i.l.bf16.f32 v7  }
0xa7: {  	s23 =	ssub.s32 s23, s24;
	v5 =	vunpack.i.u.bf16.f32 v7;
	[tilespmem:v4+s3+$0x0] =	vst.idx.add.f32.msk $0xffff, v6;
	v1 =	vmul.f32 v1, v2  }
0xa8: {  	s24 =	sshrl.u32 s23, $0x3;
	v2 =	vmul.f32 v5, v2;
	[tilespmem:v4+s18+$0x0] =	vst.idx.add.f32.msk $0xffff, v3  }
0xa9: {  	s23 =	sshll.u32 s23, $0x7;
	s24 =	smul.u32 $0xC800, s24;
	[tilespmem:v13+s3+$0x0] =	vst.idx.add.f32.msk $0xffff, v1  }
0xaa: {  	s23 =	sand.u32 $0x380, s23;
	[tilespmem:v13+s18+$0x0] =	vst.idx.add.f32.msk $0xffff, v2  }
0xab: {  	s23 =	sor.u32 s23, s24;
	_ =	swait.ge [sflag:s19], $0x1900  }
0xac: {  	s23 =	sshrl.u32 s23, $0x3;
	[sflag:s19] =	ssyncset.done $0x0  }
0xad: {  	s29 =	simm.s32 $0x1A100;
	s23 =	sadd.s32 s2, s23;
	[sflag:s19] =	ssyncadd.s32 $0xFFFFE700  }
0xae: {  	[tilespmem:s14], [sflag:$0x1] =	stream.strided.gather [hbm4b:s23+s10], $0x1900, s11, s10, $0x38;
	[tilespmem:$0x1BA00] =	vst v63  }
0xaf: {  	v1 =	vld [tilespmem:s29+$0x30];
	_ =	sdelay $0x2  }
0xb0: {  	v2 =	vld [tilespmem:s29+$0x0]  }
0xb1: {  	v3 =	vld [tilespmem:s29+$0x10]  }
0xb2: {  	v5 =	vld [tilespmem:s29+$0x20];
	v4 =	vand.u32 $0xFFFF, v1  }
0xb3: {  	s30 =	simm.s32 $0x0  }
0xb4: {  	s24 =	sand.u32 $0xFC0, s30  }
0xb5: {  	v7 =	vld [tilespmem:s24+$0x1AD80];
	v6 =	vand.u32 $0xFFFF, v2  }
0xb6: {  	v11 =	vld [tilespmem:s29+$0xCB0];
	v8 =	vand.u32 $0xFFFF, v3  }
0xb7: {  	v10 =	vand.u32 $0xFFFF, v5;
	v9 =	vld.idx.msk [tilespmem:v4+s17+$0x0], $0xffff  }
0xb8: {  	v12 =	vld [tilespmem:s29+$0xC90]  }
0xb9: {  	v15 =	vld [tilespmem:s29+$0xCA0]  }
0xba: {  	v14 =	vshrl.u32 v1, $0x10;
	v13 =	vld.idx.msk [tilespmem:v6+s17+$0x0], $0xffff  }
0xbb: {  	s31 =	simm.s32 $0x40;
	v16 =	vld.idx.msk [tilespmem:v8+s17+$0x0], $0xffff  }
0xbc: {  	s23 =	sand.u32 $0xFC0, s31;
	v4 =	vadd.s32 $0x2710, v4;
	v17 =	vld.idx.msk [tilespmem:v10+s17+$0x0], $0xffff;
	v1 =	vunpack.i.l.bf16.f32 v9  }
0xbd: {  	v2 =	vshrl.u32 v2, $0x10;
	v9 =	vunpack.i.u.bf16.f32 v9;
	v18 =	vmul.f32 v1, v11;
	v1 =	vld [tilespmem:s23+$0x1AD80];
	s23 =	simm.s32 $0x1A140  }
0xbe: {  	v9 =	vmul.f32 v9, v11;
	v21 =	vld [tilespmem:s23+$0x30]  }
0xbf: {  	v3 =	vshrl.u32 v3, $0x10;
	v19 =	vunpack.i.l.bf16.f32 v13;
	[tilespmem:v14+s3+$0x0] =	vst.idx.add.f32.msk $0xffff, v18  }
0xc0: {  	v6 =	vadd.s32 $0x2710, v6;
	v13 =	vunpack.i.u.bf16.f32 v13;
	v18 =	vmul.f32 v19, v7;
	[tilespmem:v14+s18+$0x0] =	vst.idx.add.f32.msk $0xffff, v9  }
0xc1: {  	v13 =	vmul.f32 v13, v7;
	v9 =	vunpack.i.l.bf16.f32 v16;
	v4 =	vld.idx.msk [tilespmem:v4+s17+$0x0], $0xffff  }
0xc2: {  	v5 =	vshrl.u32 v5, $0x10;
	v9 =	vmul.f32 v9, v12;
	[tilespmem:v2+s3+$0x0] =	vst.idx.add.f32.msk $0xffff, v18  }
0xc3: {  	v16 =	vunpack.i.u.bf16.f32 v16;
	[tilespmem:v2+s18+$0x0] =	vst.idx.add.f32.msk $0xffff, v13  }
0xc4: {  	v16 =	vmul.f32 v16, v12;
	v18 =	vunpack.i.l.bf16.f32 v17;
	[tilespmem:v3+s3+$0x0] =	vst.idx.add.f32.msk $0xffff, v9  }
0xc5: {  	v8 =	vadd.s32 $0x2710, v8;
	v13 =	vunpack.i.u.bf16.f32 v17;
	v17 =	vmul.f32 v18, v15;
	v6 =	vld.idx.msk [tilespmem:v6+s17+$0x0], $0xffff  }
0xc6: {  	[tilespmem:v3+s18+$0x0] =	vst.idx.add.f32.msk $0xffff, v16  }
0xc7: {  	v9 =	vmul.f32 v13, v15;
	v13 =	vadd.s32 $0x2710, v14;
	[tilespmem:v5+s3+$0x0] =	vst.idx.add.f32.msk $0xffff, v17  }
0xc8: {  	v22 =	vadd.s32 $0x2710, v3;
	v3 =	vld [tilespmem:s23+$0xC90]  }
0xc9: {  	[tilespmem:v5+s18+$0x0] =	vst.idx.add.f32.msk $0xffff, v9;
	v9 =	vunpack.i.l.bf16.f32 v4  }
0xca: {  	v8 =	vld.idx.msk [tilespmem:v8+s17+$0x0], $0xffff;
	v4 =	vunpack.i.u.bf16.f32 v4;
	v9 =	vmul.f32 v9, v11  }
0xcb: {  	v23 =	vand.u32 $0xFFFF, v21;
	v4 =	vmul.f32 v4, v11;
	v11 =	vld [tilespmem:s23+$0x20]  }
0xcc: {  	[tilespmem:v13+s3+$0x0] =	vst.idx.add.f32.msk $0xffff, v9  }
0xcd: {  	v9 =	vld [tilespmem:s23+$0x10]  }
0xce: {  	[tilespmem:v13+s18+$0x0] =	vst.idx.add.f32.msk $0xffff, v4;
	v4 =	vadd.s32 $0x2710, v10  }
0xcf: {  	v10 =	vadd.s32 $0x2710, v2;
	v13 =	vld [tilespmem:s23+$0x0];
	v16 =	vunpack.i.l.bf16.f32 v8  }
0xd0: {  	v19 =	vld.idx.msk [tilespmem:v23+s17+$0x0], $0xffff;
	v2 =	vunpack.i.l.bf16.f32 v6;
	v16 =	vmul.f32 v16, v12  }
0xd1: {  	v6 =	vunpack.i.u.bf16.f32 v6;
	v14 =	vmul.f32 v2, v7;
	v2 =	vld [tilespmem:s23+$0xCA0]  }
0xd2: {  	v6 =	vmul.f32 v6, v7;
	[tilespmem:v22+s3+$0x0] =	vst.idx.add.f32.msk $0xffff, v16;
	v7 =	vand.u32 $0xFFFF, v9  }
0xd3: {  	v17 =	vand.u32 $0xFFFF, v11;
	v4 =	vld.idx.msk [tilespmem:v4+s17+$0x0], $0xffff  }
0xd4: {  	[tilespmem:v10+s3+$0x0] =	vst.idx.add.f32.msk $0xffff, v14;
	v14 =	vand.u32 $0xFFFF, v13  }
0xd5: {  	v5 =	vadd.s32 $0x2710, v5;
	[tilespmem:v10+s18+$0x0] =	vst.idx.add.f32.msk $0xffff, v6  }
0xd6: {  	v6 =	vunpack.i.u.bf16.f32 v8;
	v10 =	vshrl.u32 v9, $0x10;
	v9 =	vshrl.u32 v11, $0x10;
	v11 =	vld [tilespmem:s23+$0xCB0]  }
0xd7: {  	v13 =	vshrl.u32 v13, $0x10;
	v8 =	vadd.s32 $0x2710, v7;
	v24 =	vmul.f32 v6, v12;
	v16 =	vld.idx.msk [tilespmem:v7+s17+$0x0], $0xffff  }
0xd8: {  	v7 =	vadd.s32 $0x2710, v17;
	v17 =	vld.idx.msk [tilespmem:v17+s17+$0x0], $0xffff;
	v18 =	vunpack.i.l.bf16.f32 v4;
	v25 =	vunpack.i.u.bf16.f32 v4  }
0xd9: {  	v20 =	vld.idx.msk [tilespmem:v14+s17+$0x0], $0xffff;
	v26 =	vmul.f32 v18, v15;
	v18 =	vmul.f32 v25, v15;
	v15 =	vshrl.u32 v21, $0x10  }
0xda: {  	v12 =	vadd.s32 $0x2710, v14;
	v6 =	vadd.s32 $0x2710, v13;
	[tilespmem:v22+s18+$0x0] =	vst.idx.add.f32.msk $0xffff, v24;
	v22 =	vunpack.i.l.bf16.f32 v19  }
0xdb: {  	s25 =	simm.s32 $0x80;
	s24 =	simm.s32 $0x4;
	v4 =	vadd.s32 $0x2710, v10;
	v14 =	vadd.s32 $0x2710, v9;
	v21 =	vadd.s32 $0x2710, v23;
	[tilespmem:v5+s3+$0x0] =	vst.idx.add.f32.msk $0xffff, v26  }
.LBB2_7:
0xdc: {  	s26 =	sand.u32 $0xFC0, s25;
	v23 =	vunpack.i.u.bf16.f32 v16;
	v19 =	vunpack.i.u.bf16.f32 v19;
	v22 =	vmul.f32 v22, v11;
	[tilespmem:v5+s18+$0x0] =	vst.idx.add.f32.msk $0xffff, v18;
	v5 =	vmovc v14  }
0xdd: {  	v16 =	vunpack.i.l.bf16.f32 v16;
	v14 =	vld [tilespmem:s26+$0x1AD80];
	v18 =	vmul.f32 v23, v3;
	v19 =	vmul.f32 v19, v11  }
0xde: {  	v23 =	vunpack.i.u.bf16.f32 v20;
	v20 =	vunpack.i.l.bf16.f32 v20;
	v16 =	vmul.f32 v16, v3;
	[tilespmem:v15+s3+$0x0] =	vst.idx.add.f32.msk $0xffff, v22  }
0xdf: {  	v20 =	vmul.f32 v20, v1;
	v22 =	vunpack.i.u.bf16.f32 v17;
	v17 =	vunpack.i.l.bf16.f32 v17;
	[tilespmem:v15+s18+$0x0] =	vst.idx.add.f32.msk $0xffff, v19  }
0xe0: {  	v19 =	vmul.f32 v23, v1;
	v17 =	vmul.f32 v17, v2;
	v21 =	vld.idx.msk [tilespmem:v21+s17+$0x0], $0xffff  }
0xe1: {  	[tilespmem:v13+s3+$0x0] =	vst.idx.add.f32.msk $0xffff, v20;
	v20 =	vmul.f32 v22, v2  }
0xe2: {  	[tilespmem:v13+s18+$0x0] =	vst.idx.add.f32.msk $0xffff, v19  }
0xe3: {  	[tilespmem:v10+s3+$0x0] =	vst.idx.add.f32.msk $0xffff, v16  }
0xe4: {  	[tilespmem:v10+s18+$0x0] =	vst.idx.add.f32.msk $0xffff, v18;
	v10 =	vadd.s32 $0x2710, v15  }
0xe5: {  	[tilespmem:v9+s3+$0x0] =	vst.idx.add.f32.msk $0xffff, v17  }
0xe6: {  	[tilespmem:v9+s18+$0x0] =	vst.idx.add.f32.msk $0xffff, v20;
	v9 =	vunpack.i.l.bf16.f32 v21  }
0xe7: {  	v13 =	vunpack.i.u.bf16.f32 v21;
	v12 =	vld.idx.msk [tilespmem:v12+s17+$0x0], $0xffff;
	v9 =	vmul.f32 v9, v11  }
0xe8: {  	v11 =	vmul.f32 v13, v11;
	v8 =	vld.idx.msk [tilespmem:v8+s17+$0x0], $0xffff  }
0xe9: {  	[tilespmem:v10+s3+$0x0] =	vst.idx.add.f32.msk $0xffff, v9  }
0xea: {  	s23 =	sadd.s32 $0x40, s23;
	[tilespmem:v10+s18+$0x0] =	vst.idx.add.f32.msk $0xffff, v11  }
0xeb: {  	v15 =	vld [tilespmem:s23+$0x30]  }
0xec: {  	v9 =	vld [tilespmem:s23+$0x10]  }
0xed: {  	s24 =	sadd.s32 $0x4, s24;
	v10 =	vunpack.i.u.bf16.f32 v12;
	v12 =	vunpack.i.l.bf16.f32 v12;
	v11 =	vld [tilespmem:s23+$0x20]  }
0xee: {  	p0 =	slt.u32 s24, $0xC4;
	v12 =	vmul.f32 v12, v1;
	v16 =	vunpack.i.u.bf16.f32 v8;
	v8 =	vunpack.i.l.bf16.f32 v8;
	v13 =	vld [tilespmem:s23+$0x0]  }
0xef: {  	v18 =	vmul.f32 v10, v1;
	v1 =	vmov v14;
	v19 =	vmul.f32 v8, v3;
	v17 =	vld [tilespmem:s23+$0xC90]  }
0xf0: {  	v22 =	vmul.f32 v16, v3;
	v21 =	vld [tilespmem:s23+$0xCA0];
	v23 =	vand.u32 $0xFFFF, v15  }
0xf1: {  	v16 =	vand.u32 $0xFFFF, v9;
	v10 =	vshrl.u32 v9, $0x10;
	v20 =	vld.idx.msk [tilespmem:v7+s17+$0x0], $0xffff  }
0xf2: {  	v8 =	vadd.s32 $0x2710, v16;
	v24 =	vand.u32 $0xFFFF, v11;
	v9 =	vshrl.u32 v11, $0x10;
	[tilespmem:v6+s3+$0x0] =	vst.idx.add.f32.msk $0xffff, v12  }
0xf3: {  	v25 =	vand.u32 $0xFFFF, v13;
	v13 =	vshrl.u32 v13, $0x10;
	v7 =	vadd.s32 $0x2710, v24;
	[tilespmem:v6+s18+$0x0] =	vst.idx.add.f32.msk $0xffff, v18  }
0xf4: {  	v26 =	vadd.s32 $0x2710, v10;
	v12 =	vadd.s32 $0x2710, v25;
	v6 =	vadd.s32 $0x2710, v13;
	[tilespmem:v4+s3+$0x0] =	vst.idx.add.f32.msk $0xffff, v19;
	v3 =	vmovc v17  }
0xf5: {  	v14 =	vadd.s32 $0x2710, v9;
	v19 =	vld.idx.msk [tilespmem:v23+s17+$0x0], $0xffff  }
0xf6: {  	v16 =	vld.idx.msk [tilespmem:v16+s17+$0x0], $0xffff  }
.Ltmp2:
0xf7: {  	v17 =	vunpack.i.u.bf16.f32 v20;
	v18 =	vunpack.i.l.bf16.f32 v20;
	v11 =	vld [tilespmem:s23+$0xCB0];
	(pc) =	sbr.rel @p0 .LBB2_7-.Ltmp2, $4  }
0xf8: {  	v20 =	vld.idx.msk [tilespmem:v25+s17+$0x0], $0xffff;
	v25 =	vmul.f32 v18, v2;
	v18 =	vmul.f32 v17, v2;
	v2 =	vmov v21  }
0xf9: {  	v15 =	vshrl.u32 v15, $0x10;
	v17 =	vld.idx.msk [tilespmem:v24+s17+$0x0], $0xffff  }
0xfa: {  	[tilespmem:v4+s18+$0x0] =	vst.idx.add.f32.msk $0xffff, v22;
	v4 =	vmov v26  }
0xfb: {  	s25 =	sadd.s32 $0x40, s25;
	v21 =	vadd.s32 $0x2710, v23;
	v22 =	vunpack.i.l.bf16.f32 v19;
	[tilespmem:v5+s3+$0x0] =	vst.idx.add.f32.msk $0xffff, v25  }
0xfc: {  	_ =	sdelay $0x1  }
0xfd: {  	v19 =	vunpack.i.u.bf16.f32 v19;
	v22 =	vmul.f32 v22, v11  }
0xfe: {  	v19 =	vmul.f32 v19, v11  }
0xff: {  	v23 =	vunpack.i.l.bf16.f32 v20;
	[tilespmem:v15+s3+$0x0] =	vst.idx.add.f32.msk $0xffff, v22  }
0x100: {  	v50 =	vunpack.i.u.bf16.f32 v20;
	v51 =	vmul.f32 v23, v1;
	[tilespmem:v15+s18+$0x0] =	vst.idx.add.f32.msk $0xffff, v19  }
0x101: {  	v52 =	vunpack.i.l.bf16.f32 v16;
	v20 =	vmul.f32 v50, v1;
	v21 =	vld.idx.msk [tilespmem:v21+s17+$0x0], $0xffff  }
0x102: {  	v53 =	vunpack.i.u.bf16.f32 v16;
	v19 =	vmul.f32 v52, v3;
	[tilespmem:v13+s3+$0x0] =	vst.idx.add.f32.msk $0xffff, v51  }
0x103: {  	v16 =	vmul.f32 v53, v3;
	[tilespmem:v13+s18+$0x0] =	vst.idx.add.f32.msk $0xffff, v20  }
0x104: {  	v54 =	vunpack.i.l.bf16.f32 v17;
	[tilespmem:v10+s3+$0x0] =	vst.idx.add.f32.msk $0xffff, v19  }
0x105: {  	v13 =	vmul.f32 v54, v2;
	[tilespmem:v10+s18+$0x0] =	vst.idx.add.f32.msk $0xffff, v16  }
0x106: {  	v55 =	vunpack.i.u.bf16.f32 v17;
	v12 =	vld.idx.msk [tilespmem:v12+s17+$0x0], $0xffff  }
0x107: {  	v56 =	vadd.s32 $0x2710, v15;
	v10 =	vmul.f32 v55, v2;
	[tilespmem:v9+s3+$0x0] =	vst.idx.add.f32.msk $0xffff, v13  }
0x108: {  	v8 =	vld.idx.msk [tilespmem:v8+s17+$0x0], $0xffff  }
0x109: {  	[tilespmem:v9+s18+$0x0] =	vst.idx.add.f32.msk $0xffff, v10;
	v57 =	vunpack.i.l.bf16.f32 v21  }
0x10a: {  	v58 =	vunpack.i.u.bf16.f32 v21;
	v7 =	vld.idx.msk [tilespmem:v7+s17+$0x0], $0xffff;
	v9 =	vmul.f32 v57, v11  }
0x10b: {  	[tilespmem:v5+s18+$0x0] =	vst.idx.add.f32.msk $0xffff, v18;
	v59 =	vmul.f32 v58, v11;
	v60 =	vunpack.i.l.bf16.f32 v12  }
0x10c: {  	v61 =	vunpack.i.u.bf16.f32 v12;
	[tilespmem:v56+s3+$0x0] =	vst.idx.add.f32.msk $0xffff, v9;
	v10 =	vmul.f32 v60, v1  }
0x10d: {  	s22 =	sadd.s32 $0x1, s22;
	v62 =	vunpack.i.l.bf16.f32 v8;
	v1 =	vmul.f32 v61, v1;
	[tilespmem:v56+s18+$0x0] =	vst.idx.add.f32.msk $0xffff, v59  }
0x10e: {  	p0 =	sne.s32 s22, $0x32;
	v8 =	vunpack.i.u.bf16.f32 v8;
	v5 =	vmul.f32 v62, v3;
	[tilespmem:v6+s3+$0x0] =	vst.idx.add.f32.msk $0xffff, v10  }
.Ltmp3:
0x10f: {  	v3 =	vmul.f32 v8, v3;
	[tilespmem:v6+s18+$0x0] =	vst.idx.add.f32.msk $0xffff, v1;
	v1 =	vunpack.i.l.bf16.f32 v7;
	(pc) =	sbr.rel @p0 .LBB2_4-.Ltmp3, $4  }
0x110: {  	v63 =	vunpack.i.u.bf16.f32 v7;
	[tilespmem:v4+s3+$0x0] =	vst.idx.add.f32.msk $0xffff, v5;
	v1 =	vmul.f32 v1, v2  }
0x111: {  	v2 =	vmul.f32 v63, v2;
	[tilespmem:v4+s18+$0x0] =	vst.idx.add.f32.msk $0xffff, v3  }
0x112: {  	[tilespmem:v14+s3+$0x0] =	vst.idx.add.f32.msk $0xffff, v1  }
0x113: {  	[tilespmem:v14+s18+$0x0] =	vst.idx.add.f32.msk $0xffff, v2  }
0x114: {  	s21 =	simm.s32 $0x0  }
0x115: {  	v1 =	vld [tilespmem:s21+$0x75A0]  }
0x116: {  	v2 =	vld [tilespmem:s21+$0x0]  }
0x117: {  	v3 =	vld [tilespmem:s21+$0x9D00]  }
0x118: {  	v4 =	vld [tilespmem:s21+$0x11240]  }
0x119: {  	v5 =	vld [tilespmem:s21+$0x4E80]  }
0x11a: {  	[tilespmem:s21+$0x0] =	vst v0;
	v6 =	vld [tilespmem:s21+$0xC410]  }
0x11b: {  	[tilespmem:s21+$0x4E80] =	vst v0;
	v7 =	vld [tilespmem:s21+$0x2710]  }
0x11c: {  	[tilespmem:s21+$0x2710] =	vst v0;
	v8 =	vld [tilespmem:s21+$0xEB20]  }
0x11d: {  	[tilespmem:s21+$0x75A0] =	vst v0;
	v4 =	vadd.f32 v4, v1  }
0x11e: {  	v9 =	vld [tilespmem:s21+$0x7590];
	[tilespmem:s21+$0x7590] =	vst v0  }
0x11f: {  	v3 =	vadd.f32 v3, v2;
	v2 =	vpack.i.f32.bf16 v5, v2;
	[tilespmem:s21+$0x11240] =	vst v4;
	v4 =	vld [tilespmem:s21+$0x11230]  }
0x120: {  	v10 =	vld [tilespmem:s21+$0x10];
	[tilespmem:s21+$0x13980] =	vst v2  }
0x121: {  	v2 =	vadd.f32 v8, v7;
	[tilespmem:s21+$0x9D00] =	vst v3;
	v3 =	vadd.f32 v6, v5;
	v5 =	vld [tilespmem:s21+$0x9D10]  }
0x122: {  	v63 =	vld [tilespmem:s21+$0xC420];
	[tilespmem:s21+$0x10] =	vst v0  }
0x123: {  	v6 =	vld [tilespmem:s21+$0x4E90];
	[tilespmem:s21+$0xEB20] =	vst v2  }
0x124: {  	v2 =	vld [tilespmem:s21+$0x2720];
	[tilespmem:s21+$0xC410] =	vst v3;
	v3 =	vpack.i.f32.bf16 v9, v7;
	v4 =	vadd.f32 v4, v9  }
0x125: {  	[tilespmem:s21+$0x16090] =	vst v3;
	v3 =	vld [tilespmem:s21+$0xEB30]  }
0x126: {  	[tilespmem:s21+$0x11230] =	vst v4;
	v4 =	vadd.f32 v5, v10  }
0x127: {  	[tilespmem:s21+$0x4E90] =	vst v0  }
0x128: {  	s22 =	simm.s32 $0x0;
	s23 =	simm.s32 $0x80;
	v5 =	vpack.i.f32.bf16 v6, v10;
	[tilespmem:s21+$0x9D10] =	vst v4;
	v4 =	vadd.f32 v63, v6  }
.LBB2_10:
0x129: {  	s24 =	sshra.s32 s23, $0x2;
	[tilespmem:s21+$0x13990] =	vst v5;
	v5 =	vpack.i.f32.bf16 v1, v2  }
0x12a: {  	s22 =	sadd.s32 $0x2, s22;
	v1 =	vld [tilespmem:s24+$0x75A0];
	[tilespmem:s21+$0xC420] =	vst v4;
	v2 =	vadd.f32 v3, v2  }
0x12b: {  	p0 =	slt.u32 s22, $0x26E;
	v3 =	vld [tilespmem:s24+$0x11240];
	[tilespmem:s21+$0x160A0] =	vst v5  }
0x12c: {  	v4 =	vld [tilespmem:s24+$0x0];
	[tilespmem:s21+$0xEB30] =	vst v2  }
0x12d: {  	v2 =	vld [tilespmem:s24+$0x9D00];
	[tilespmem:s24+$0x0] =	vst v0  }
0x12e: {  	v5 =	vld [tilespmem:s24+$0x4E80];
	[tilespmem:s24+$0x4E80] =	vst v0  }
0x12f: {  	v6 =	vld [tilespmem:s24+$0xC410];
	[tilespmem:s21+$0x2720] =	vst v0;
	s21 =	smov.u32 s24  }
0x130: {  	v7 =	vld [tilespmem:s21+$0x2710];
	[tilespmem:s21+$0x2710] =	vst v0;
	v3 =	vadd.f32 v3, v1  }
0x131: {  	v8 =	vld [tilespmem:s21+$0xEB20];
	[tilespmem:s21+$0x75A0] =	vst v0  }
0x132: {  	v2 =	vadd.f32 v2, v4;
	v9 =	vld [tilespmem:s21+$0x7590];
	[tilespmem:s21+$0x11240] =	vst v3  }
0x133: {  	v3 =	vld [tilespmem:s21+$0x11230];
	v4 =	vpack.i.f32.bf16 v5, v4;
	[tilespmem:s21+$0x7590] =	vst v0  }
0x134: {  	[tilespmem:s21+$0x9D00] =	vst v2;
	v2 =	vadd.f32 v6, v5;
	v5 =	vld [tilespmem:s21+$0x10]  }
0x135: {  	[tilespmem:s21+$0x13980] =	vst v4;
	v4 =	vld [tilespmem:s21+$0x9D10]  }
0x136: {  	[tilespmem:s21+$0xC410] =	vst v2;
	v2 =	vadd.f32 v8, v7;
	v6 =	vld [tilespmem:s21+$0x4E90]  }
0x137: {  	v7 =	vpack.i.f32.bf16 v9, v7;
	v8 =	vld [tilespmem:s21+$0xC420];
	[tilespmem:s21+$0x10] =	vst v0  }
.Ltmp4:
0x138: {  	[tilespmem:s21+$0xEB20] =	vst v2;
	v9 =	vadd.f32 v3, v9;
	v2 =	vld [tilespmem:s21+$0x2720];
	(pc) =	sbr.rel @p0 .LBB2_10-.Ltmp4, $4  }
0x139: {  	[tilespmem:s21+$0x16090] =	vst v7;
	v3 =	vld [tilespmem:s21+$0xEB30]  }
0x13a: {  	[tilespmem:s21+$0x11230] =	vst v9;
	v4 =	vadd.f32 v4, v5  }
0x13b: {  	v5 =	vpack.i.f32.bf16 v6, v5;
	[tilespmem:s21+$0x4E90] =	vst v0  }
0x13c: {  	s23 =	sadd.s32 $0x80, s23;
	[tilespmem:s21+$0x9D10] =	vst v4;
	v4 =	vadd.f32 v8, v6  }
0x13d: {  	[tilespmem:s21+$0x13990] =	vst v5  }
0x13e: {  	[tilespmem:s21+$0x2720] =	vst v0  }
0x13f: {  	v1 =	vpack.i.f32.bf16 v1, v2;
	[tilespmem:s21+$0xC420] =	vst v4;
	v2 =	vadd.f32 v3, v2  }
0x140: {  	[tilespmem:s21+$0x160A0] =	vst v1  }
0x141: {  	[tilespmem:s21+$0xEB30] =	vst v2  }
0x142: {  	v1 =	vld [tilespmem:$0x2700]  }
0x143: {  	v2 =	vld [tilespmem:$0xC400]  }
0x144: {  	v3 =	vld [tilespmem:$0x7580]  }
0x145: {  	v4 =	vld [tilespmem:$0xEB10]  }
0x146: {  	v7 =	vld [tilespmem:$0x9C90]  }
0x147: {  	v8 =	vld [tilespmem:$0x13930];
	[tilespmem:$0x2700] =	vst v0  }
0x148: {  	v5 =	vld [tilespmem:$0x4E10];
	[tilespmem:$0x7580] =	vst v0  }
0x149: {  	v6 =	vld [tilespmem:$0x11220];
	[tilespmem:$0x4E10] =	vst v0  }
0x14a: {  	[tilespmem:$0x9C90] =	vst v0;
	v2 =	vadd.f32 v2, v1;
	v1 =	vpack.i.f32.bf16 v3, v1  }
0x14b: {  	v4 =	vadd.f32 v4, v3;
	[tilespmem:$0x16080] =	vst v1  }
0x14c: {  	v63 =	vadd.f32 v8, v7;
	[tilespmem:$0xC400] =	vst v2  }
0x14d: {  	[tilespmem:$0xEB10] =	vst v4  }
0x14e: {  	v1 =	vpack.i.f32.bf16 v7, v5;
	v2 =	vadd.f32 v6, v5;
	[tilespmem:$0x13930] =	vst v63  }
0x14f: {  	[tilespmem:$0x18790] =	vst v1  }
0x150: {  	s22 =	simm.s32 $0x0;
	s21 =	simm.s32 $0x0;
	[tilespmem:$0x11220] =	vst v2  }
.LBB2_12:
0x151: {  	s23 =	sshll.u32 s22, $0x1  }
0x152: {  	s24 =	sadd.s32 s23, s6  }
0x153: {  	s25 =	smulhi.u32 $0x51EB851F, s24;
	_ =	sdelay $0x1  }
0x154: {  	s25 =	sshrl.u32 s25, $0x5  }
0x155: {  	s25 =	smul.u32 $0x64, s25;
	_ =	sdelay $0x1  }
0x156: {  	s24 =	ssub.s32 s24, s25  }
0x157: {  	s25 =	sshrl.u32 s24, $0x3  }
0x158: {  	s24 =	sshll.u32 s24, $0x7;
	s25 =	smul.u32 $0xC800, s25  }
0x159: {  	s24 =	sand.u32 $0x380, s24  }
0x15a: {  	_ =	swait.ge [sflag:s15], $0x1900;
	s24 =	sor.u32 s24, s25  }
0x15b: {  	[sflag:s15] =	ssyncset.done $0x0;
	s24 =	sshrl.u32 s24, $0x3  }
0x15c: {  	s29 =	simm.s32 $0x18800;
	[sflag:s15] =	ssyncadd.s32 $0xFFFFE700;
	s24 =	sadd.s32 s2, s24  }
0x15d: {  	[tilespmem:s16], [sflag:$0x2] =	stream.strided.gather [hbm4b:s24+s10], $0x1900, s11, s10, $0x38;
	[tilespmem:$0x1BA00] =	vst v63  }
0x15e: {  	v1 =	vld [tilespmem:s29+$0x30];
	_ =	sdelay $0x2  }
0x15f: {  	v2 =	vld [tilespmem:s29+$0x0]  }
0x160: {  	v3 =	vld [tilespmem:s29+$0x10]  }
0x161: {  	v5 =	vld [tilespmem:s29+$0x20];
	v4 =	vand.u32 $0xFFFF, v1;
	_ =	sdelay $0x1  }
0x162: {  	s30 =	sand.u32 $0xFC0, s21  }
0x163: {  	v7 =	vld [tilespmem:s30+$0x19480];
	v6 =	vand.u32 $0xFFFF, v2  }
0x164: {  	v11 =	vld [tilespmem:s29+$0xCB0];
	v8 =	vand.u32 $0xFFFF, v3  }
0x165: {  	v10 =	vand.u32 $0xFFFF, v5;
	v9 =	vld.idx.msk [tilespmem:v4+s17+$0x0], $0xffff  }
0x166: {  	v12 =	vld [tilespmem:s29+$0xC90]  }
0x167: {  	v15 =	vld [tilespmem:s29+$0xCA0]  }
0x168: {  	v14 =	vshrl.u32 v1, $0x10;
	v13 =	vld.idx.msk [tilespmem:v6+s17+$0x0], $0xffff  }
0x169: {  	s31 =	simm.s32 $0x40;
	v16 =	vld.idx.msk [tilespmem:v8+s17+$0x0], $0xffff  }
0x16a: {  	s24 =	sand.u32 $0xFC0, s31;
	v4 =	vadd.s32 $0x2710, v4;
	v17 =	vld.idx.msk [tilespmem:v10+s17+$0x0], $0xffff;
	v1 =	vunpack.i.l.bf16.f32 v9  }
0x16b: {  	v2 =	vshrl.u32 v2, $0x10;
	v9 =	vunpack.i.u.bf16.f32 v9;
	v18 =	vmul.f32 v1, v11;
	v1 =	vld [tilespmem:s24+$0x19480];
	s24 =	simm.s32 $0x18840  }
0x16c: {  	v9 =	vmul.f32 v9, v11;
	v21 =	vld [tilespmem:s24+$0x30]  }
0x16d: {  	v3 =	vshrl.u32 v3, $0x10;
	v19 =	vunpack.i.l.bf16.f32 v13;
	[tilespmem:v14+s3+$0x0] =	vst.idx.add.f32.msk $0xffff, v18  }
0x16e: {  	v6 =	vadd.s32 $0x2710, v6;
	v13 =	vunpack.i.u.bf16.f32 v13;
	v18 =	vmul.f32 v19, v7;
	[tilespmem:v14+s18+$0x0] =	vst.idx.add.f32.msk $0xffff, v9  }
0x16f: {  	v13 =	vmul.f32 v13, v7;
	v9 =	vunpack.i.l.bf16.f32 v16;
	v4 =	vld.idx.msk [tilespmem:v4+s17+$0x0], $0xffff  }
0x170: {  	v5 =	vshrl.u32 v5, $0x10;
	v9 =	vmul.f32 v9, v12;
	[tilespmem:v2+s3+$0x0] =	vst.idx.add.f32.msk $0xffff, v18  }
0x171: {  	v16 =	vunpack.i.u.bf16.f32 v16;
	[tilespmem:v2+s18+$0x0] =	vst.idx.add.f32.msk $0xffff, v13  }
0x172: {  	v16 =	vmul.f32 v16, v12;
	v18 =	vunpack.i.l.bf16.f32 v17;
	[tilespmem:v3+s3+$0x0] =	vst.idx.add.f32.msk $0xffff, v9  }
0x173: {  	v8 =	vadd.s32 $0x2710, v8;
	v13 =	vunpack.i.u.bf16.f32 v17;
	v17 =	vmul.f32 v18, v15;
	v6 =	vld.idx.msk [tilespmem:v6+s17+$0x0], $0xffff  }
0x174: {  	v9 =	vmul.f32 v13, v15;
	v13 =	vadd.s32 $0x2710, v14;
	[tilespmem:v3+s18+$0x0] =	vst.idx.add.f32.msk $0xffff, v16  }
0x175: {  	[tilespmem:v5+s3+$0x0] =	vst.idx.add.f32.msk $0xffff, v17  }
0x176: {  	[tilespmem:v5+s18+$0x0] =	vst.idx.add.f32.msk $0xffff, v9;
	v9 =	vunpack.i.l.bf16.f32 v4  }
0x177: {  	v22 =	vadd.s32 $0x2710, v3;
	v3 =	vld [tilespmem:s24+$0xC90];
	v9 =	vmul.f32 v9, v11  }
0x178: {  	v8 =	vld.idx.msk [tilespmem:v8+s17+$0x0], $0xffff;
	v4 =	vunpack.i.u.bf16.f32 v4  }
0x179: {  	v23 =	vand.u32 $0xFFFF, v21;
	v4 =	vmul.f32 v4, v11;
	[tilespmem:v13+s3+$0x0] =	vst.idx.add.f32.msk $0xffff, v9  }
0x17a: {  	v9 =	vld [tilespmem:s24+$0x10]  }
0x17b: {  	[tilespmem:v13+s18+$0x0] =	vst.idx.add.f32.msk $0xffff, v4  }
0x17c: {  	v4 =	vadd.s32 $0x2710, v10;
	v13 =	vld [tilespmem:s24+$0x0]  }
0x17d: {  	v11 =	vld [tilespmem:s24+$0x20];
	v10 =	vadd.s32 $0x2710, v2;
	v16 =	vunpack.i.l.bf16.f32 v8  }
0x17e: {  	v19 =	vld.idx.msk [tilespmem:v23+s17+$0x0], $0xffff;
	v2 =	vunpack.i.l.bf16.f32 v6;
	v16 =	vmul.f32 v16, v12  }
0x17f: {  	v6 =	vunpack.i.u.bf16.f32 v6;
	v14 =	vmul.f32 v2, v7;
	v2 =	vld [tilespmem:s24+$0xCA0]  }
0x180: {  	v6 =	vmul.f32 v6, v7;
	[tilespmem:v22+s3+$0x0] =	vst.idx.add.f32.msk $0xffff, v16;
	v7 =	vand.u32 $0xFFFF, v9  }
0x181: {  	v4 =	vld.idx.msk [tilespmem:v4+s17+$0x0], $0xffff;
	v17 =	vand.u32 $0xFFFF, v13  }
0x182: {  	v8 =	vunpack.i.u.bf16.f32 v8;
	v18 =	vand.u32 $0xFFFF, v11;
	[tilespmem:v10+s3+$0x0] =	vst.idx.add.f32.msk $0xffff, v14  }
0x183: {  	v24 =	vmul.f32 v8, v12;
	[tilespmem:v10+s18+$0x0] =	vst.idx.add.f32.msk $0xffff, v6  }
0x184: {  	v6 =	vadd.s32 $0x2710, v5;
	v10 =	vshrl.u32 v9, $0x10;
	v9 =	vshrl.u32 v11, $0x10;
	v11 =	vld [tilespmem:s24+$0xCB0]  }
0x185: {  	v8 =	vadd.s32 $0x2710, v7;
	v14 =	vshrl.u32 v13, $0x10;
	v12 =	vadd.s32 $0x2710, v17;
	v16 =	vld.idx.msk [tilespmem:v7+s17+$0x0], $0xffff  }
0x186: {  	v7 =	vadd.s32 $0x2710, v18;
	v13 =	vunpack.i.l.bf16.f32 v4;
	v20 =	vld.idx.msk [tilespmem:v17+s17+$0x0], $0xffff;
	v25 =	vunpack.i.u.bf16.f32 v4  }
0x187: {  	v17 =	vld.idx.msk [tilespmem:v18+s17+$0x0], $0xffff;
	v26 =	vmul.f32 v13, v15;
	v18 =	vmul.f32 v25, v15;
	v15 =	vshrl.u32 v21, $0x10  }
0x188: {  	[tilespmem:v22+s18+$0x0] =	vst.idx.add.f32.msk $0xffff, v24;
	v22 =	vunpack.i.l.bf16.f32 v19;
	v5 =	vadd.s32 $0x2710, v14  }
0x189: {  	s26 =	simm.s32 $0x80;
	s25 =	simm.s32 $0x4;
	v4 =	vadd.s32 $0x2710, v10;
	v13 =	vadd.s32 $0x2710, v9;
	v21 =	vadd.s32 $0x2710, v23;
	[tilespmem:v6+s3+$0x0] =	vst.idx.add.f32.msk $0xffff, v26  }
.LBB2_13:
0x18a: {  	s28 =	sand.u32 $0xFC0, s26;
	v23 =	vunpack.i.u.bf16.f32 v16;
	v19 =	vunpack.i.u.bf16.f32 v19;
	v22 =	vmul.f32 v22, v11;
	[tilespmem:v6+s18+$0x0] =	vst.idx.add.f32.msk $0xffff, v18;
	v6 =	vmovc v13  }
0x18b: {  	v16 =	vunpack.i.l.bf16.f32 v16;
	v13 =	vld [tilespmem:s28+$0x19480];
	v18 =	vmul.f32 v23, v3;
	v19 =	vmul.f32 v19, v11  }
0x18c: {  	v23 =	vunpack.i.u.bf16.f32 v20;
	v20 =	vunpack.i.l.bf16.f32 v20;
	v16 =	vmul.f32 v16, v3;
	[tilespmem:v15+s3+$0x0] =	vst.idx.add.f32.msk $0xffff, v22  }
0x18d: {  	v20 =	vmul.f32 v20, v1;
	v22 =	vunpack.i.u.bf16.f32 v17;
	v17 =	vunpack.i.l.bf16.f32 v17;
	[tilespmem:v15+s18+$0x0] =	vst.idx.add.f32.msk $0xffff, v19  }
0x18e: {  	v19 =	vmul.f32 v23, v1;
	v17 =	vmul.f32 v17, v2;
	v21 =	vld.idx.msk [tilespmem:v21+s17+$0x0], $0xffff  }
0x18f: {  	[tilespmem:v14+s3+$0x0] =	vst.idx.add.f32.msk $0xffff, v20;
	v20 =	vmul.f32 v22, v2  }
0x190: {  	[tilespmem:v14+s18+$0x0] =	vst.idx.add.f32.msk $0xffff, v19  }
0x191: {  	[tilespmem:v10+s3+$0x0] =	vst.idx.add.f32.msk $0xffff, v16  }
0x192: {  	[tilespmem:v10+s18+$0x0] =	vst.idx.add.f32.msk $0xffff, v18;
	v10 =	vadd.s32 $0x2710, v15  }
0x193: {  	[tilespmem:v9+s3+$0x0] =	vst.idx.add.f32.msk $0xffff, v17  }
0x194: {  	[tilespmem:v9+s18+$0x0] =	vst.idx.add.f32.msk $0xffff, v20;
	v9 =	vunpack.i.l.bf16.f32 v21  }
0x195: {  	v14 =	vunpack.i.u.bf16.f32 v21;
	v12 =	vld.idx.msk [tilespmem:v12+s17+$0x0], $0xffff;
	v9 =	vmul.f32 v9, v11  }
0x196: {  	v11 =	vmul.f32 v14, v11;
	v8 =	vld.idx.msk [tilespmem:v8+s17+$0x0], $0xffff  }
0x197: {  	[tilespmem:v10+s3+$0x0] =	vst.idx.add.f32.msk $0xffff, v9  }
0x198: {  	s24 =	sadd.s32 $0x40, s24;
	[tilespmem:v10+s18+$0x0] =	vst.idx.add.f32.msk $0xffff, v11  }
0x199: {  	v15 =	vld [tilespmem:s24+$0x30]  }
0x19a: {  	v9 =	vld [tilespmem:s24+$0x10]  }
0x19b: {  	s25 =	sadd.s32 $0x4, s25;
	v10 =	vunpack.i.u.bf16.f32 v12;
	v12 =	vunpack.i.l.bf16.f32 v12;
	v11 =	vld [tilespmem:s24+$0x20]  }
0x19c: {  	p0 =	slt.u32 s25, $0xC4;
	v12 =	vmul.f32 v12, v1;
	v16 =	vunpack.i.u.bf16.f32 v8;
	v8 =	vunpack.i.l.bf16.f32 v8;
	v14 =	vld [tilespmem:s24+$0x0]  }
0x19d: {  	v18 =	vmul.f32 v10, v1;
	v1 =	vmov v13;
	v19 =	vmul.f32 v8, v3;
	v17 =	vld [tilespmem:s24+$0xC90]  }
0x19e: {  	v22 =	vmul.f32 v16, v3;
	v21 =	vld [tilespmem:s24+$0xCA0];
	v23 =	vand.u32 $0xFFFF, v15  }
0x19f: {  	v16 =	vand.u32 $0xFFFF, v9;
	v10 =	vshrl.u32 v9, $0x10;
	v20 =	vld.idx.msk [tilespmem:v7+s17+$0x0], $0xffff  }
0x1a0: {  	v8 =	vadd.s32 $0x2710, v16;
	v24 =	vand.u32 $0xFFFF, v11;
	v9 =	vshrl.u32 v11, $0x10;
	[tilespmem:v5+s3+$0x0] =	vst.idx.add.f32.msk $0xffff, v12  }
0x1a1: {  	v25 =	vand.u32 $0xFFFF, v14;
	v14 =	vshrl.u32 v14, $0x10;
	v7 =	vadd.s32 $0x2710, v24;
	[tilespmem:v5+s18+$0x0] =	vst.idx.add.f32.msk $0xffff, v18  }
0x1a2: {  	v26 =	vadd.s32 $0x2710, v10;
	v12 =	vadd.s32 $0x2710, v25;
	v5 =	vadd.s32 $0x2710, v14;
	[tilespmem:v4+s3+$0x0] =	vst.idx.add.f32.msk $0xffff, v19;
	v3 =	vmovc v17  }
0x1a3: {  	v13 =	vadd.s32 $0x2710, v9;
	v19 =	vld.idx.msk [tilespmem:v23+s17+$0x0], $0xffff  }
0x1a4: {  	v16 =	vld.idx.msk [tilespmem:v16+s17+$0x0], $0xffff  }
.Ltmp5:
0x1a5: {  	v17 =	vunpack.i.u.bf16.f32 v20;
	v18 =	vunpack.i.l.bf16.f32 v20;
	v11 =	vld [tilespmem:s24+$0xCB0];
	(pc) =	sbr.rel @p0 .LBB2_13-.Ltmp5, $4  }
0x1a6: {  	v20 =	vld.idx.msk [tilespmem:v25+s17+$0x0], $0xffff;
	v25 =	vmul.f32 v18, v2;
	v18 =	vmul.f32 v17, v2;
	v2 =	vmov v21  }
0x1a7: {  	v15 =	vshrl.u32 v15, $0x10;
	v17 =	vld.idx.msk [tilespmem:v24+s17+$0x0], $0xffff  }
0x1a8: {  	[tilespmem:v4+s18+$0x0] =	vst.idx.add.f32.msk $0xffff, v22;
	v4 =	vmov v26  }
0x1a9: {  	s26 =	sadd.s32 $0x40, s26;
	v21 =	vadd.s32 $0x2710, v23;
	v22 =	vunpack.i.l.bf16.f32 v19;
	[tilespmem:v6+s3+$0x0] =	vst.idx.add.f32.msk $0xffff, v25  }
0x1aa: {  	_ =	sdelay $0x1  }
0x1ab: {  	v19 =	vunpack.i.u.bf16.f32 v19;
	v22 =	vmul.f32 v22, v11  }
0x1ac: {  	v19 =	vmul.f32 v19, v11  }
0x1ad: {  	v23 =	vunpack.i.l.bf16.f32 v20;
	[tilespmem:v15+s3+$0x0] =	vst.idx.add.f32.msk $0xffff, v22  }
0x1ae: {  	v20 =	vunpack.i.u.bf16.f32 v20;
	v22 =	vmul.f32 v23, v1;
	[tilespmem:v15+s18+$0x0] =	vst.idx.add.f32.msk $0xffff, v19  }
0x1af: {  	v20 =	vmul.f32 v20, v1;
	v19 =	vunpack.i.l.bf16.f32 v16;
	v21 =	vld.idx.msk [tilespmem:v21+s17+$0x0], $0xffff  }
0x1b0: {  	v19 =	vmul.f32 v19, v3;
	[tilespmem:v14+s3+$0x0] =	vst.idx.add.f32.msk $0xffff, v22  }
0x1b1: {  	v16 =	vunpack.i.u.bf16.f32 v16;
	[tilespmem:v14+s18+$0x0] =	vst.idx.add.f32.msk $0xffff, v20  }
0x1b2: {  	v16 =	vmul.f32 v16, v3;
	v14 =	vunpack.i.l.bf16.f32 v17;
	[tilespmem:v10+s3+$0x0] =	vst.idx.add.f32.msk $0xffff, v19  }
0x1b3: {  	v14 =	vmul.f32 v14, v2;
	v12 =	vld.idx.msk [tilespmem:v12+s17+$0x0], $0xffff  }
0x1b4: {  	[tilespmem:v10+s18+$0x0] =	vst.idx.add.f32.msk $0xffff, v16;
	v10 =	vunpack.i.u.bf16.f32 v17  }
0x1b5: {  	v15 =	vadd.s32 $0x2710, v15;
	v10 =	vmul.f32 v10, v2;
	[tilespmem:v9+s3+$0x0] =	vst.idx.add.f32.msk $0xffff, v14  }
0x1b6: {  	v8 =	vld.idx.msk [tilespmem:v8+s17+$0x0], $0xffff  }
0x1b7: {  	[tilespmem:v9+s18+$0x0] =	vst.idx.add.f32.msk $0xffff, v10;
	v9 =	vunpack.i.l.bf16.f32 v21  }
0x1b8: {  	s23 =	sadd.s32 s23, s7;
	v10 =	vunpack.i.u.bf16.f32 v21;
	v9 =	vmul.f32 v9, v11;
	v7 =	vld.idx.msk [tilespmem:v7+s17+$0x0], $0xffff  }
0x1b9: {  	[tilespmem:v6+s18+$0x0] =	vst.idx.add.f32.msk $0xffff, v18;
	s24 =	smulhi.u32 $0x51EB851F, s23;
	v6 =	vmul.f32 v10, v11;
	v10 =	vunpack.i.l.bf16.f32 v12  }
0x1ba: {  	v10 =	vmul.f32 v10, v1;
	[tilespmem:v15+s3+$0x0] =	vst.idx.add.f32.msk $0xffff, v9;
	v9 =	vunpack.i.u.bf16.f32 v12  }
0x1bb: {  	s24 =	sshrl.u32 s24, $0x5;
	[tilespmem:v15+s18+$0x0] =	vst.idx.add.f32.msk $0xffff, v6;
	v6 =	vunpack.i.l.bf16.f32 v8;
	v1 =	vmul.f32 v9, v1  }
0x1bc: {  	s24 =	smul.u32 $0x64, s24;
	v8 =	vunpack.i.u.bf16.f32 v8;
	[tilespmem:v5+s3+$0x0] =	vst.idx.add.f32.msk $0xffff, v10;
	v6 =	vmul.f32 v6, v3  }
0x1bd: {  	v3 =	vmul.f32 v8, v3;
	[tilespmem:v5+s18+$0x0] =	vst.idx.add.f32.msk $0xffff, v1;
	v1 =	vunpack.i.l.bf16.f32 v7  }
0x1be: {  	s23 =	ssub.s32 s23, s24;
	v5 =	vunpack.i.u.bf16.f32 v7;
	[tilespmem:v4+s3+$0x0] =	vst.idx.add.f32.msk $0xffff, v6;
	v1 =	vmul.f32 v1, v2  }
0x1bf: {  	s24 =	sshrl.u32 s23, $0x3;
	v2 =	vmul.f32 v5, v2;
	[tilespmem:v4+s18+$0x0] =	vst.idx.add.f32.msk $0xffff, v3  }
0x1c0: {  	s23 =	sshll.u32 s23, $0x7;
	s24 =	smul.u32 $0xC800, s24;
	[tilespmem:v13+s3+$0x0] =	vst.idx.add.f32.msk $0xffff, v1  }
0x1c1: {  	s23 =	sand.u32 $0x380, s23;
	[tilespmem:v13+s18+$0x0] =	vst.idx.add.f32.msk $0xffff, v2  }
0x1c2: {  	s23 =	sor.u32 s23, s24;
	_ =	swait.ge [sflag:s19], $0x1900  }
0x1c3: {  	s23 =	sshrl.u32 s23, $0x3;
	[sflag:s19] =	ssyncset.done $0x0  }
0x1c4: {  	s29 =	simm.s32 $0x1A100;
	s23 =	sadd.s32 s2, s23;
	[sflag:s19] =	ssyncadd.s32 $0xFFFFE700  }
0x1c5: {  	[tilespmem:s14], [sflag:$0x1] =	stream.strided.gather [hbm4b:s23+s10], $0x1900, s11, s10, $0x38;
	[tilespmem:$0x1BA00] =	vst v63  }
0x1c6: {  	v1 =	vld [tilespmem:s29+$0x30];
	_ =	sdelay $0x2  }
0x1c7: {  	v2 =	vld [tilespmem:s29+$0x0]  }
0x1c8: {  	v3 =	vld [tilespmem:s29+$0x10]  }
0x1c9: {  	v5 =	vld [tilespmem:s29+$0x20];
	v4 =	vand.u32 $0xFFFF, v1  }
0x1ca: {  	s30 =	simm.s32 $0x0  }
0x1cb: {  	s24 =	sand.u32 $0xFC0, s30  }
0x1cc: {  	v7 =	vld [tilespmem:s24+$0x1AD80];
	v6 =	vand.u32 $0xFFFF, v2  }
0x1cd: {  	v11 =	vld [tilespmem:s29+$0xCB0];
	v8 =	vand.u32 $0xFFFF, v3  }
0x1ce: {  	v10 =	vand.u32 $0xFFFF, v5;
	v9 =	vld.idx.msk [tilespmem:v4+s17+$0x0], $0xffff  }
0x1cf: {  	v12 =	vld [tilespmem:s29+$0xC90]  }
0x1d0: {  	v15 =	vld [tilespmem:s29+$0xCA0]  }
0x1d1: {  	v14 =	vshrl.u32 v1, $0x10;
	v13 =	vld.idx.msk [tilespmem:v6+s17+$0x0], $0xffff  }
0x1d2: {  	s31 =	simm.s32 $0x40;
	v16 =	vld.idx.msk [tilespmem:v8+s17+$0x0], $0xffff  }
0x1d3: {  	s23 =	sand.u32 $0xFC0, s31;
	v4 =	vadd.s32 $0x2710, v4;
	v17 =	vld.idx.msk [tilespmem:v10+s17+$0x0], $0xffff;
	v1 =	vunpack.i.l.bf16.f32 v9  }
0x1d4: {  	v2 =	vshrl.u32 v2, $0x10;
	v9 =	vunpack.i.u.bf16.f32 v9;
	v18 =	vmul.f32 v1, v11;
	v1 =	vld [tilespmem:s23+$0x1AD80];
	s23 =	simm.s32 $0x1A140  }
0x1d5: {  	v9 =	vmul.f32 v9, v11;
	v21 =	vld [tilespmem:s23+$0x30]  }
0x1d6: {  	v3 =	vshrl.u32 v3, $0x10;
	v19 =	vunpack.i.l.bf16.f32 v13;
	[tilespmem:v14+s3+$0x0] =	vst.idx.add.f32.msk $0xffff, v18  }
0x1d7: {  	v6 =	vadd.s32 $0x2710, v6;
	v13 =	vunpack.i.u.bf16.f32 v13;
	v18 =	vmul.f32 v19, v7;
	[tilespmem:v14+s18+$0x0] =	vst.idx.add.f32.msk $0xffff, v9  }
0x1d8: {  	v13 =	vmul.f32 v13, v7;
	v9 =	vunpack.i.l.bf16.f32 v16;
	v4 =	vld.idx.msk [tilespmem:v4+s17+$0x0], $0xffff  }
0x1d9: {  	v5 =	vshrl.u32 v5, $0x10;
	v9 =	vmul.f32 v9, v12;
	[tilespmem:v2+s3+$0x0] =	vst.idx.add.f32.msk $0xffff, v18  }
0x1da: {  	v16 =	vunpack.i.u.bf16.f32 v16;
	[tilespmem:v2+s18+$0x0] =	vst.idx.add.f32.msk $0xffff, v13  }
0x1db: {  	v16 =	vmul.f32 v16, v12;
	v18 =	vunpack.i.l.bf16.f32 v17;
	[tilespmem:v3+s3+$0x0] =	vst.idx.add.f32.msk $0xffff, v9  }
0x1dc: {  	v8 =	vadd.s32 $0x2710, v8;
	v13 =	vunpack.i.u.bf16.f32 v17;
	v17 =	vmul.f32 v18, v15;
	v6 =	vld.idx.msk [tilespmem:v6+s17+$0x0], $0xffff  }
0x1dd: {  	[tilespmem:v3+s18+$0x0] =	vst.idx.add.f32.msk $0xffff, v16  }
0x1de: {  	v9 =	vmul.f32 v13, v15;
	v13 =	vadd.s32 $0x2710, v14;
	[tilespmem:v5+s3+$0x0] =	vst.idx.add.f32.msk $0xffff, v17  }
0x1df: {  	v22 =	vadd.s32 $0x2710, v3;
	v3 =	vld [tilespmem:s23+$0xC90]  }
0x1e0: {  	[tilespmem:v5+s18+$0x0] =	vst.idx.add.f32.msk $0xffff, v9;
	v9 =	vunpack.i.l.bf16.f32 v4  }
0x1e1: {  	v8 =	vld.idx.msk [tilespmem:v8+s17+$0x0], $0xffff;
	v4 =	vunpack.i.u.bf16.f32 v4;
	v9 =	vmul.f32 v9, v11  }
0x1e2: {  	v23 =	vand.u32 $0xFFFF, v21;
	v4 =	vmul.f32 v4, v11;
	v11 =	vld [tilespmem:s23+$0x20]  }
0x1e3: {  	[tilespmem:v13+s3+$0x0] =	vst.idx.add.f32.msk $0xffff, v9  }
0x1e4: {  	v9 =	vld [tilespmem:s23+$0x10]  }
0x1e5: {  	[tilespmem:v13+s18+$0x0] =	vst.idx.add.f32.msk $0xffff, v4;
	v4 =	vadd.s32 $0x2710, v10  }
0x1e6: {  	v10 =	vadd.s32 $0x2710, v2;
	v13 =	vld [tilespmem:s23+$0x0];
	v16 =	vunpack.i.l.bf16.f32 v8  }
0x1e7: {  	v19 =	vld.idx.msk [tilespmem:v23+s17+$0x0], $0xffff;
	v2 =	vunpack.i.l.bf16.f32 v6;
	v16 =	vmul.f32 v16, v12  }
0x1e8: {  	v6 =	vunpack.i.u.bf16.f32 v6;
	v14 =	vmul.f32 v2, v7;
	v2 =	vld [tilespmem:s23+$0xCA0]  }
0x1e9: {  	v6 =	vmul.f32 v6, v7;
	[tilespmem:v22+s3+$0x0] =	vst.idx.add.f32.msk $0xffff, v16;
	v7 =	vand.u32 $0xFFFF, v9  }
0x1ea: {  	v17 =	vand.u32 $0xFFFF, v11;
	v4 =	vld.idx.msk [tilespmem:v4+s17+$0x0], $0xffff  }
0x1eb: {  	[tilespmem:v10+s3+$0x0] =	vst.idx.add.f32.msk $0xffff, v14;
	v14 =	vand.u32 $0xFFFF, v13  }
0x1ec: {  	v5 =	vadd.s32 $0x2710, v5;
	[tilespmem:v10+s18+$0x0] =	vst.idx.add.f32.msk $0xffff, v6  }
0x1ed: {  	v6 =	vunpack.i.u.bf16.f32 v8;
	v10 =	vshrl.u32 v9, $0x10;
	v9 =	vshrl.u32 v11, $0x10;
	v11 =	vld [tilespmem:s23+$0xCB0]  }
0x1ee: {  	v13 =	vshrl.u32 v13, $0x10;
	v8 =	vadd.s32 $0x2710, v7;
	v24 =	vmul.f32 v6, v12;
	v16 =	vld.idx.msk [tilespmem:v7+s17+$0x0], $0xffff  }
0x1ef: {  	v7 =	vadd.s32 $0x2710, v17;
	v17 =	vld.idx.msk [tilespmem:v17+s17+$0x0], $0xffff;
	v18 =	vunpack.i.l.bf16.f32 v4;
	v25 =	vunpack.i.u.bf16.f32 v4  }
0x1f0: {  	v20 =	vld.idx.msk [tilespmem:v14+s17+$0x0], $0xffff;
	v26 =	vmul.f32 v18, v15;
	v18 =	vmul.f32 v25, v15;
	v15 =	vshrl.u32 v21, $0x10  }
0x1f1: {  	v12 =	vadd.s32 $0x2710, v14;
	v6 =	vadd.s32 $0x2710, v13;
	[tilespmem:v22+s18+$0x0] =	vst.idx.add.f32.msk $0xffff, v24;
	v22 =	vunpack.i.l.bf16.f32 v19  }
0x1f2: {  	s25 =	simm.s32 $0x80;
	s24 =	simm.s32 $0x4;
	v4 =	vadd.s32 $0x2710, v10;
	v14 =	vadd.s32 $0x2710, v9;
	v21 =	vadd.s32 $0x2710, v23;
	[tilespmem:v5+s3+$0x0] =	vst.idx.add.f32.msk $0xffff, v26  }
.LBB2_15:
0x1f3: {  	s26 =	sand.u32 $0xFC0, s25;
	v23 =	vunpack.i.u.bf16.f32 v16;
	v19 =	vunpack.i.u.bf16.f32 v19;
	v22 =	vmul.f32 v22, v11;
	[tilespmem:v5+s18+$0x0] =	vst.idx.add.f32.msk $0xffff, v18;
	v5 =	vmovc v14  }
0x1f4: {  	v16 =	vunpack.i.l.bf16.f32 v16;
	v14 =	vld [tilespmem:s26+$0x1AD80];
	v18 =	vmul.f32 v23, v3;
	v19 =	vmul.f32 v19, v11  }
0x1f5: {  	v23 =	vunpack.i.u.bf16.f32 v20;
	v20 =	vunpack.i.l.bf16.f32 v20;
	v16 =	vmul.f32 v16, v3;
	[tilespmem:v15+s3+$0x0] =	vst.idx.add.f32.msk $0xffff, v22  }
0x1f6: {  	v20 =	vmul.f32 v20, v1;
	v22 =	vunpack.i.u.bf16.f32 v17;
	v17 =	vunpack.i.l.bf16.f32 v17;
	[tilespmem:v15+s18+$0x0] =	vst.idx.add.f32.msk $0xffff, v19  }
0x1f7: {  	v19 =	vmul.f32 v23, v1;
	v17 =	vmul.f32 v17, v2;
	v21 =	vld.idx.msk [tilespmem:v21+s17+$0x0], $0xffff  }
0x1f8: {  	[tilespmem:v13+s3+$0x0] =	vst.idx.add.f32.msk $0xffff, v20;
	v20 =	vmul.f32 v22, v2  }
0x1f9: {  	[tilespmem:v13+s18+$0x0] =	vst.idx.add.f32.msk $0xffff, v19  }
0x1fa: {  	[tilespmem:v10+s3+$0x0] =	vst.idx.add.f32.msk $0xffff, v16  }
0x1fb: {  	[tilespmem:v10+s18+$0x0] =	vst.idx.add.f32.msk $0xffff, v18;
	v10 =	vadd.s32 $0x2710, v15  }
0x1fc: {  	[tilespmem:v9+s3+$0x0] =	vst.idx.add.f32.msk $0xffff, v17  }
0x1fd: {  	[tilespmem:v9+s18+$0x0] =	vst.idx.add.f32.msk $0xffff, v20;
	v9 =	vunpack.i.l.bf16.f32 v21  }
0x1fe: {  	v13 =	vunpack.i.u.bf16.f32 v21;
	v12 =	vld.idx.msk [tilespmem:v12+s17+$0x0], $0xffff;
	v9 =	vmul.f32 v9, v11  }
0x1ff: {  	v11 =	vmul.f32 v13, v11;
	v8 =	vld.idx.msk [tilespmem:v8+s17+$0x0], $0xffff  }
0x200: {  	[tilespmem:v10+s3+$0x0] =	vst.idx.add.f32.msk $0xffff, v9  }
0x201: {  	s23 =	sadd.s32 $0x40, s23;
	[tilespmem:v10+s18+$0x0] =	vst.idx.add.f32.msk $0xffff, v11  }
0x202: {  	v15 =	vld [tilespmem:s23+$0x30]  }
0x203: {  	v9 =	vld [tilespmem:s23+$0x10]  }
0x204: {  	s24 =	sadd.s32 $0x4, s24;
	v10 =	vunpack.i.u.bf16.f32 v12;
	v12 =	vunpack.i.l.bf16.f32 v12;
	v11 =	vld [tilespmem:s23+$0x20]  }
0x205: {  	p0 =	slt.u32 s24, $0xC4;
	v12 =	vmul.f32 v12, v1;
	v16 =	vunpack.i.u.bf16.f32 v8;
	v8 =	vunpack.i.l.bf16.f32 v8;
	v13 =	vld [tilespmem:s23+$0x0]  }
0x206: {  	v18 =	vmul.f32 v10, v1;
	v1 =	vmov v14;
	v19 =	vmul.f32 v8, v3;
	v17 =	vld [tilespmem:s23+$0xC90]  }
0x207: {  	v22 =	vmul.f32 v16, v3;
	v21 =	vld [tilespmem:s23+$0xCA0];
	v23 =	vand.u32 $0xFFFF, v15  }
0x208: {  	v16 =	vand.u32 $0xFFFF, v9;
	v10 =	vshrl.u32 v9, $0x10;
	v20 =	vld.idx.msk [tilespmem:v7+s17+$0x0], $0xffff  }
0x209: {  	v8 =	vadd.s32 $0x2710, v16;
	v24 =	vand.u32 $0xFFFF, v11;
	v9 =	vshrl.u32 v11, $0x10;
	[tilespmem:v6+s3+$0x0] =	vst.idx.add.f32.msk $0xffff, v12  }
0x20a: {  	v25 =	vand.u32 $0xFFFF, v13;
	v13 =	vshrl.u32 v13, $0x10;
	v7 =	vadd.s32 $0x2710, v24;
	[tilespmem:v6+s18+$0x0] =	vst.idx.add.f32.msk $0xffff, v18  }
0x20b: {  	v26 =	vadd.s32 $0x2710, v10;
	v12 =	vadd.s32 $0x2710, v25;
	v6 =	vadd.s32 $0x2710, v13;
	[tilespmem:v4+s3+$0x0] =	vst.idx.add.f32.msk $0xffff, v19;
	v3 =	vmovc v17  }
0x20c: {  	v14 =	vadd.s32 $0x2710, v9;
	v19 =	vld.idx.msk [tilespmem:v23+s17+$0x0], $0xffff  }
0x20d: {  	v16 =	vld.idx.msk [tilespmem:v16+s17+$0x0], $0xffff  }
.Ltmp6:
0x20e: {  	v17 =	vunpack.i.u.bf16.f32 v20;
	v18 =	vunpack.i.l.bf16.f32 v20;
	v11 =	vld [tilespmem:s23+$0xCB0];
	(pc) =	sbr.rel @p0 .LBB2_15-.Ltmp6, $4  }
0x20f: {  	v20 =	vld.idx.msk [tilespmem:v25+s17+$0x0], $0xffff;
	v25 =	vmul.f32 v18, v2;
	v18 =	vmul.f32 v17, v2;
	v2 =	vmov v21  }
0x210: {  	v15 =	vshrl.u32 v15, $0x10;
	v17 =	vld.idx.msk [tilespmem:v24+s17+$0x0], $0xffff  }
0x211: {  	[tilespmem:v4+s18+$0x0] =	vst.idx.add.f32.msk $0xffff, v22;
	v4 =	vmov v26  }
0x212: {  	s25 =	sadd.s32 $0x40, s25;
	v21 =	vadd.s32 $0x2710, v23;
	v22 =	vunpack.i.l.bf16.f32 v19;
	[tilespmem:v5+s3+$0x0] =	vst.idx.add.f32.msk $0xffff, v25  }
0x213: {  	_ =	sdelay $0x1  }
0x214: {  	v19 =	vunpack.i.u.bf16.f32 v19;
	v22 =	vmul.f32 v22, v11  }
0x215: {  	v19 =	vmul.f32 v19, v11  }
0x216: {  	v23 =	vunpack.i.l.bf16.f32 v20;
	[tilespmem:v15+s3+$0x0] =	vst.idx.add.f32.msk $0xffff, v22  }
0x217: {  	v50 =	vunpack.i.u.bf16.f32 v20;
	v51 =	vmul.f32 v23, v1;
	[tilespmem:v15+s18+$0x0] =	vst.idx.add.f32.msk $0xffff, v19  }
0x218: {  	v52 =	vunpack.i.l.bf16.f32 v16;
	v20 =	vmul.f32 v50, v1;
	v21 =	vld.idx.msk [tilespmem:v21+s17+$0x0], $0xffff  }
0x219: {  	v53 =	vunpack.i.u.bf16.f32 v16;
	v19 =	vmul.f32 v52, v3;
	[tilespmem:v13+s3+$0x0] =	vst.idx.add.f32.msk $0xffff, v51  }
0x21a: {  	v16 =	vmul.f32 v53, v3;
	[tilespmem:v13+s18+$0x0] =	vst.idx.add.f32.msk $0xffff, v20  }
0x21b: {  	v54 =	vunpack.i.l.bf16.f32 v17;
	[tilespmem:v10+s3+$0x0] =	vst.idx.add.f32.msk $0xffff, v19  }
0x21c: {  	v13 =	vmul.f32 v54, v2;
	[tilespmem:v10+s18+$0x0] =	vst.idx.add.f32.msk $0xffff, v16  }
0x21d: {  	v55 =	vunpack.i.u.bf16.f32 v17;
	v12 =	vld.idx.msk [tilespmem:v12+s17+$0x0], $0xffff  }
0x21e: {  	v56 =	vadd.s32 $0x2710, v15;
	v10 =	vmul.f32 v55, v2;
	[tilespmem:v9+s3+$0x0] =	vst.idx.add.f32.msk $0xffff, v13  }
0x21f: {  	v8 =	vld.idx.msk [tilespmem:v8+s17+$0x0], $0xffff  }
0x220: {  	[tilespmem:v9+s18+$0x0] =	vst.idx.add.f32.msk $0xffff, v10;
	v57 =	vunpack.i.l.bf16.f32 v21  }
0x221: {  	v58 =	vunpack.i.u.bf16.f32 v21;
	v7 =	vld.idx.msk [tilespmem:v7+s17+$0x0], $0xffff;
	v9 =	vmul.f32 v57, v11  }
0x222: {  	[tilespmem:v5+s18+$0x0] =	vst.idx.add.f32.msk $0xffff, v18;
	v59 =	vmul.f32 v58, v11;
	v60 =	vunpack.i.l.bf16.f32 v12  }
0x223: {  	v61 =	vunpack.i.u.bf16.f32 v12;
	[tilespmem:v56+s3+$0x0] =	vst.idx.add.f32.msk $0xffff, v9;
	v10 =	vmul.f32 v60, v1  }
0x224: {  	s22 =	sadd.s32 $0x1, s22;
	v62 =	vunpack.i.l.bf16.f32 v8;
	v1 =	vmul.f32 v61, v1;
	[tilespmem:v56+s18+$0x0] =	vst.idx.add.f32.msk $0xffff, v59  }
0x225: {  	p0 =	sne.s32 s22, $0x32;
	v8 =	vunpack.i.u.bf16.f32 v8;
	v5 =	vmul.f32 v62, v3;
	[tilespmem:v6+s3+$0x0] =	vst.idx.add.f32.msk $0xffff, v10  }
.Ltmp7:
0x226: {  	v3 =	vmul.f32 v8, v3;
	[tilespmem:v6+s18+$0x0] =	vst.idx.add.f32.msk $0xffff, v1;
	v1 =	vunpack.i.l.bf16.f32 v7;
	(pc) =	sbr.rel @p0 .LBB2_12-.Ltmp7, $4  }
0x227: {  	v63 =	vunpack.i.u.bf16.f32 v7;
	[tilespmem:v4+s3+$0x0] =	vst.idx.add.f32.msk $0xffff, v5;
	v1 =	vmul.f32 v1, v2  }
0x228: {  	v2 =	vmul.f32 v63, v2;
	[tilespmem:v4+s18+$0x0] =	vst.idx.add.f32.msk $0xffff, v3  }
0x229: {  	[tilespmem:v14+s3+$0x0] =	vst.idx.add.f32.msk $0xffff, v1  }
0x22a: {  	[tilespmem:v14+s18+$0x0] =	vst.idx.add.f32.msk $0xffff, v2  }
0x22b: {  	s21 =	simm.s32 $0x0  }
0x22c: {  	v1 =	vld [tilespmem:s21+$0x75A0]  }
0x22d: {  	v2 =	vld [tilespmem:s21+$0x11240]  }
0x22e: {  	v3 =	vld [tilespmem:s21+$0x0]  }
0x22f: {  	v4 =	vld [tilespmem:s21+$0x9D00]  }
0x230: {  	v5 =	vld [tilespmem:s21+$0x4E80]  }
0x231: {  	v6 =	vld [tilespmem:s21+$0xC410]  }
0x232: {  	v7 =	vld [tilespmem:s21+$0x2710]  }
0x233: {  	v8 =	vld [tilespmem:s21+$0xEB20];
	_ =	sdelay $0x1  }
0x234: {  	v9 =	vld [tilespmem:s21+$0x7590];
	v2 =	vadd.f32 v2, v1  }
0x235: {  	v10 =	vld [tilespmem:s21+$0x11230];
	v4 =	vadd.f32 v4, v3  }
0x236: {  	[tilespmem:s21+$0x11240] =	vst v2;
	v2 =	vld [tilespmem:s21+$0x10]  }
0x237: {  	v3 =	vpack.i.f32.bf16 v5, v3;
	v11 =	vadd.f32 v8, v7;
	[tilespmem:s21+$0x9D00] =	vst v4;
	v4 =	vadd.f32 v6, v5;
	v5 =	vld [tilespmem:s21+$0x9D10]  }
0x238: {  	[tilespmem:s21+$0x13980] =	vst v3;
	v3 =	vld [tilespmem:s21+$0x4E90]  }
0x239: {  	v6 =	vld [tilespmem:s21+$0xC420];
	[tilespmem:s21+$0xEB20] =	vst v11  }
0x23a: {  	s22 =	simm.s32 $0x0;
	s23 =	simm.s32 $0x80;
	v8 =	vpack.i.f32.bf16 v9, v7;
	v7 =	vadd.f32 v10, v9;
	[tilespmem:s21+$0xC410] =	vst v4;
	v4 =	vld [tilespmem:s21+$0x2720]  }
.LBB2_18:
0x23b: {  	s24 =	sshra.s32 s23, $0x2;
	[tilespmem:s21+$0x16090] =	vst v8;
	v8 =	vld [tilespmem:s21+$0xEB30]  }
0x23c: {  	s22 =	sadd.s32 $0x2, s22;
	v9 =	vld [tilespmem:s24+$0x75A0];
	[tilespmem:s21+$0x11230] =	vst v7;
	v5 =	vadd.f32 v5, v2  }
0x23d: {  	p0 =	slt.u32 s22, $0x26E;
	v7 =	vld [tilespmem:s24+$0x11240];
	v2 =	vpack.i.f32.bf16 v3, v2  }
0x23e: {  	v10 =	vld [tilespmem:s24+$0x0];
	[tilespmem:s21+$0x9D10] =	vst v5;
	v3 =	vadd.f32 v6, v3  }
0x23f: {  	v5 =	vld [tilespmem:s24+$0x9D00];
	[tilespmem:s21+$0x13990] =	vst v2;
	v6 =	vpack.i.f32.bf16 v1, v4  }
0x240: {  	v2 =	vld [tilespmem:s24+$0x4E80];
	[tilespmem:s21+$0xC420] =	vst v3;
	v3 =	vadd.f32 v8, v4  }
0x241: {  	v4 =	vld [tilespmem:s24+$0xC410];
	[tilespmem:s21+$0x160A0] =	vst v6;
	v1 =	vmov v9  }
0x242: {  	v6 =	vld [tilespmem:s24+$0x2710];
	v7 =	vadd.f32 v7, v1;
	[tilespmem:s21+$0xEB30] =	vst v3;
	s21 =	smov.u32 s24  }
0x243: {  	v3 =	vld [tilespmem:s21+$0xEB20]  }
0x244: {  	v5 =	vadd.f32 v5, v10;
	v9 =	vld [tilespmem:s21+$0x7590];
	[tilespmem:s21+$0x11240] =	vst v7  }
0x245: {  	v7 =	vld [tilespmem:s21+$0x11230];
	v8 =	vpack.i.f32.bf16 v2, v10  }
.Ltmp8:
0x246: {  	[tilespmem:s21+$0x9D00] =	vst v5;
	v4 =	vadd.f32 v4, v2;
	v2 =	vld [tilespmem:s21+$0x10];
	(pc) =	sbr.rel @p0 .LBB2_18-.Ltmp8, $4  }
0x247: {  	[tilespmem:s21+$0x13980] =	vst v8;
	v5 =	vld [tilespmem:s21+$0x9D10]  }
0x248: {  	[tilespmem:s21+$0xC410] =	vst v4;
	v4 =	vadd.f32 v3, v6;
	v3 =	vld [tilespmem:s21+$0x4E90]  }
0x249: {  	v8 =	vpack.i.f32.bf16 v9, v6;
	v6 =	vld [tilespmem:s21+$0xC420]  }
0x24a: {  	s23 =	sadd.s32 $0x80, s23;
	[tilespmem:s21+$0xEB20] =	vst v4;
	v7 =	vadd.f32 v7, v9;
	v4 =	vld [tilespmem:s21+$0x2720]  }
0x24b: {  	v9 =	vld [tilespmem:s21+$0xEB30]  }
0x24c: {  	[tilespmem:s21+$0x16090] =	vst v8;
	v5 =	vadd.f32 v5, v2  }
0x24d: {  	[tilespmem:s21+$0x11230] =	vst v7  }
0x24e: {  	v2 =	vpack.i.f32.bf16 v3, v2;
	[tilespmem:s21+$0x9D10] =	vst v5;
	v3 =	vadd.f32 v6, v3  }
0x24f: {  	[tilespmem:s21+$0x13990] =	vst v2  }
0x250: {  	v1 =	vpack.i.f32.bf16 v1, v4;
	[tilespmem:s21+$0xC420] =	vst v3;
	v2 =	vadd.f32 v9, v4  }
0x251: {  	[tilespmem:s21+$0x160A0] =	vst v1  }
0x252: {  	[tilespmem:s21+$0xEB30] =	vst v2  }
0x253: {  	v1 =	vld [tilespmem:$0x2700]  }
0x254: {  	v2 =	vld [tilespmem:$0xC400]  }
0x255: {  	v3 =	vld [tilespmem:$0x7580]  }
0x256: {  	v61 =	vld [tilespmem:$0xEB10]  }
0x257: {  	v7 =	vld [tilespmem:$0x9C90]  }
0x258: {  	v8 =	vld [tilespmem:$0x13930]  }
0x259: {  	v5 =	vld [tilespmem:$0x4E10]  }
0x25a: {  	v62 =	vld [tilespmem:$0x11220]  }
0x25b: {  	v2 =	vadd.f32 v2, v1;
	v1 =	vpack.i.f32.bf16 v3, v1  }
0x25c: {  	v4 =	vadd.f32 v61, v3;
	[tilespmem:$0x16080] =	vst v1  }
0x25d: {  	v63 =	vadd.f32 v8, v7;
	[tilespmem:$0xC400] =	vst v2  }
0x25e: {  	[tilespmem:$0xEB10] =	vst v4  }
0x25f: {  	v1 =	vpack.i.f32.bf16 v7, v5;
	v2 =	vadd.f32 v62, v5;
	[tilespmem:$0x13930] =	vst v63  }
0x260: {  	[tilespmem:$0x18790] =	vst v1  }
0x261: {  	s22 =	simm.s32 $0x0;
	s21 =	simm.s32 $0x0;
	[tilespmem:$0x11220] =	vst v2  }
.LBB2_20:
0x262: {  	s23 =	sshll.u32 s22, $0x1  }
0x263: {  	s24 =	sadd.s32 s23, s6  }
0x264: {  	s25 =	smulhi.u32 $0x51EB851F, s24;
	_ =	sdelay $0x1  }
0x265: {  	s25 =	sshrl.u32 s25, $0x5  }
0x266: {  	s25 =	smul.u32 $0x64, s25;
	_ =	sdelay $0x1  }
0x267: {  	s24 =	ssub.s32 s24, s25  }
0x268: {  	s25 =	sshrl.u32 s24, $0x3  }
0x269: {  	s24 =	sshll.u32 s24, $0x7;
	s25 =	smul.u32 $0xC800, s25  }
0x26a: {  	s24 =	sand.u32 $0x380, s24  }
0x26b: {  	_ =	swait.ge [sflag:s15], $0x1900;
	s24 =	sor.u32 s24, s25  }
0x26c: {  	[sflag:s15] =	ssyncset.done $0x0;
	s24 =	sshrl.u32 s24, $0x3  }
0x26d: {  	s29 =	simm.s32 $0x18800;
	[sflag:s15] =	ssyncadd.s32 $0xFFFFE700;
	s24 =	sadd.s32 s2, s24  }
0x26e: {  	[tilespmem:s16], [sflag:$0x2] =	stream.strided.gather [hbm4b:s24+s10], $0x1900, s11, s10, $0x38;
	[tilespmem:$0x1BA00] =	vst v63  }
0x26f: {  	v1 =	vld [tilespmem:s29+$0x30]  }
0x270: {  	v2 =	vld [tilespmem:s29+$0x0];
	_ =	sdelay $0x2  }
0x271: {  	v3 =	vld [tilespmem:s29+$0x10]  }
0x272: {  	v5 =	vld [tilespmem:s29+$0x20];
	v4 =	vand.u32 $0xFFFF, v1  }
0x273: {  	v6 =	vand.u32 $0xFFFF, v2  }
0x274: {  	s30 =	sand.u32 $0xFC0, s21  }
0x275: {  	v7 =	vld [tilespmem:s30+$0x19480]  }
0x276: {  	v11 =	vld [tilespmem:s29+$0xCB0];
	v8 =	vand.u32 $0xFFFF, v3  }
0x277: {  	v10 =	vand.u32 $0xFFFF, v5;
	v9 =	vld.idx.msk [tilespmem:v4+s17+$0x0], $0xffff  }
0x278: {  	v13 =	vld.idx.msk [tilespmem:v6+s17+$0x0], $0xffff  }
0x279: {  	v12 =	vld [tilespmem:s29+$0xC90]  }
0x27a: {  	v21 =	vld [tilespmem:s29+$0xCA0];
	v14 =	vshrl.u32 v1, $0x10  }
0x27b: {  	s31 =	simm.s32 $0x40;
	v2 =	vshrl.u32 v2, $0x10;
	v16 =	vld.idx.msk [tilespmem:v8+s17+$0x0], $0xffff  }
0x27c: {  	s24 =	sand.u32 $0xFC0, s31;
	v15 =	vadd.s32 $0x2710, v14;
	v17 =	vld.idx.msk [tilespmem:v10+s17+$0x0], $0xffff;
	v1 =	vunpack.i.l.bf16.f32 v9  }
0x27d: {  	v19 =	vadd.s32 $0x2710, v2;
	v20 =	vunpack.i.l.bf16.f32 v13;
	v18 =	vmul.f32 v1, v11;
	v1 =	vld [tilespmem:s24+$0x19480];
	s24 =	simm.s32 $0x18840  }
0x27e: {  	v4 =	vadd.s32 $0x2710, v4;
	v9 =	vunpack.i.u.bf16.f32 v9;
	v20 =	vmul.f32 v20, v7;
	v27 =	vld [tilespmem:s24+$0x30]  }
0x27f: {  	v6 =	vadd.s32 $0x2710, v6;
	v13 =	vunpack.i.u.bf16.f32 v13;
	v9 =	vmul.f32 v9, v11;
	[tilespmem:v14+s12+$0x0] =	vst.idx.add.f32.msk $0xffff, v18  }
0x280: {  	v5 =	vshrl.u32 v5, $0x10;
	v13 =	vmul.f32 v13, v7;
	[tilespmem:v2+s12+$0x0] =	vst.idx.add.f32.msk $0xffff, v20  }
0x281: {  	v3 =	vshrl.u32 v3, $0x10;
	[tilespmem:v15+s12+$0x0] =	vst.idx.add.f32.msk $0xffff, v9  }
0x282: {  	v18 =	vadd.s32 $0x2710, v3;
	v20 =	vunpack.i.l.bf16.f32 v17;
	v9 =	vunpack.i.l.bf16.f32 v16;
	[tilespmem:v19+s12+$0x0] =	vst.idx.add.f32.msk $0xffff, v13  }
0x283: {  	v15 =	vadd.s32 $0x2710, v5;
	v13 =	vunpack.i.u.bf16.f32 v17;
	v17 =	vmul.f32 v20, v21;
	v4 =	vld.idx.msk [tilespmem:v4+s17+$0x0], $0xffff  }
0x284: {  	v8 =	vadd.s32 $0x2710, v8;
	v16 =	vunpack.i.u.bf16.f32 v16;
	v9 =	vmul.f32 v9, v12;
	v6 =	vld.idx.msk [tilespmem:v6+s17+$0x0], $0xffff  }
0x285: {  	v16 =	vmul.f32 v16, v12;
	[tilespmem:v5+s12+$0x0] =	vst.idx.add.f32.msk $0xffff, v17  }
0x286: {  	[tilespmem:v3+s12+$0x0] =	vst.idx.add.f32.msk $0xffff, v9;
	v9 =	vmul.f32 v13, v21;
	v13 =	vadd.s32 $0x4E20, v14  }
0x287: {  	[tilespmem:v18+s12+$0x0] =	vst.idx.add.f32.msk $0xffff, v16  }
0x288: {  	v14 =	vadd.s32 $0x7530, v14;
	[tilespmem:v15+s12+$0x0] =	vst.idx.add.f32.msk $0xffff, v9;
	v9 =	vunpack.i.l.bf16.f32 v4  }
0x289: {  	v8 =	vld.idx.msk [tilespmem:v8+s17+$0x0], $0xffff;
	v4 =	vunpack.i.u.bf16.f32 v4;
	v9 =	vmul.f32 v9, v11  }
0x28a: {  	v4 =	vmul.f32 v4, v11;
	v11 =	vld [tilespmem:s24+$0x20]  }
0x28b: {  	v30 =	vand.u32 $0xFFFF, v27;
	[tilespmem:v13+s12+$0x0] =	vst.idx.add.f32.msk $0xffff, v9  }
0x28c: {  	v9 =	vld [tilespmem:s24+$0x10]  }
0x28d: {  	[tilespmem:v14+s12+$0x0] =	vst.idx.add.f32.msk $0xffff, v4;
	v4 =	vadd.s32 $0x2710, v10  }
0x28e: {  	v10 =	vadd.s32 $0x4E20, v2;
	v14 =	vld [tilespmem:s24+$0x0]  }
0x28f: {  	v28 =	vadd.s32 $0x7530, v3;
	v31 =	vadd.s32 $0x4E20, v5;
	v15 =	vadd.s32 $0x4E20, v3;
	v3 =	vld [tilespmem:s24+$0xC90]  }
0x290: {  	v25 =	vld.idx.msk [tilespmem:v30+s17+$0x0], $0xffff;
	v13 =	vadd.s32 $0x7530, v2;
	v2 =	vunpack.i.l.bf16.f32 v6;
	v6 =	vunpack.i.u.bf16.f32 v6  }
0x291: {  	v17 =	vunpack.i.l.bf16.f32 v8;
	v16 =	vmul.f32 v2, v7;
	v2 =	vld [tilespmem:s24+$0xCA0];
	v7 =	vmul.f32 v6, v7  }
0x292: {  	v6 =	vadd.s32 $0x7530, v5;
	v24 =	vand.u32 $0xFFFF, v11;
	v20 =	vand.u32 $0xFFFF, v9;
	v23 =	vld.idx.msk [tilespmem:v4+s17+$0x0], $0xffff  }
0x293: {  	v11 =	vshrl.u32 v11, $0x10;
	v4 =	vunpack.i.u.bf16.f32 v8;
	[tilespmem:v10+s12+$0x0] =	vst.idx.add.f32.msk $0xffff, v16;
	v5 =	vand.u32 $0xFFFF, v14  }
0x294: {  	v8 =	vmul.f32 v17, v12;
	v18 =	vshrl.u32 v14, $0x10;
	v14 =	vadd.s32 $0x2710, v20;
	v17 =	vld [tilespmem:s24+$0xCB0]  }
0x295: {  	v10 =	vadd.s32 $0x2710, v24;
	v29 =	vmul.f32 v4, v12;
	[tilespmem:v13+s12+$0x0] =	vst.idx.add.f32.msk $0xffff, v7;
	v13 =	vshrl.u32 v9, $0x10  }
0x296: {  	v12 =	vadd.s32 $0x2710, v11;
	v19 =	vadd.s32 $0x2710, v18;
	v16 =	vadd.s32 $0x2710, v5;
	[tilespmem:v15+s12+$0x0] =	vst.idx.add.f32.msk $0xffff, v8  }
0x297: {  	v9 =	vadd.s32 $0x4E20, v18;
	v7 =	vadd.s32 $0x7530, v18;
	v15 =	vadd.s32 $0x2710, v13;
	v22 =	vld.idx.msk [tilespmem:v20+s17+$0x0], $0xffff  }
0x298: {  	v8 =	vadd.s32 $0x4E20, v13;
	v20 =	vunpack.i.l.bf16.f32 v23;
	v26 =	vld.idx.msk [tilespmem:v5+s17+$0x0], $0xffff;
	v32 =	vunpack.i.u.bf16.f32 v23  }
0x299: {  	v23 =	vld.idx.msk [tilespmem:v24+s17+$0x0], $0xffff;
	v33 =	vmul.f32 v20, v21;
	v24 =	vmul.f32 v32, v21;
	v21 =	vshrl.u32 v27, $0x10  }
0x29a: {  	v4 =	vadd.s32 $0x7530, v13;
	[tilespmem:v28+s12+$0x0] =	vst.idx.add.f32.msk $0xffff, v29;
	v29 =	vunpack.i.l.bf16.f32 v25;
	v27 =	vadd.s32 $0x2710, v21  }
0x29b: {  	s26 =	simm.s32 $0x80;
	s25 =	simm.s32 $0x4;
	v28 =	vadd.s32 $0x2710, v30;
	v5 =	vadd.s32 $0x4E20, v11;
	v20 =	vadd.s32 $0x7530, v11;
	[tilespmem:v31+s12+$0x0] =	vst.idx.add.f32.msk $0xffff, v33  }
.LBB2_21:
0x29c: {  	s28 =	sand.u32 $0xFC0, s26;
	v30 =	vunpack.i.u.bf16.f32 v22;
	v25 =	vunpack.i.u.bf16.f32 v25;
	v29 =	vmul.f32 v29, v17;
	[tilespmem:v6+s12+$0x0] =	vst.idx.add.f32.msk $0xffff, v24;
	v6 =	vmovc v20  }
0x29d: {  	v22 =	vunpack.i.l.bf16.f32 v22;
	v20 =	vld [tilespmem:s28+$0x19480];
	v24 =	vmul.f32 v30, v3;
	v25 =	vmul.f32 v25, v17  }
0x29e: {  	v30 =	vunpack.i.u.bf16.f32 v26;
	v26 =	vunpack.i.l.bf16.f32 v26;
	v22 =	vmul.f32 v22, v3;
	[tilespmem:v21+s12+$0x0] =	vst.idx.add.f32.msk $0xffff, v29  }
0x29f: {  	v26 =	vmul.f32 v26, v1;
	v29 =	vunpack.i.u.bf16.f32 v23;
	v23 =	vunpack.i.l.bf16.f32 v23;
	[tilespmem:v27+s12+$0x0] =	vst.idx.add.f32.msk $0xffff, v25  }
0x2a0: {  	v25 =	vmul.f32 v30, v1;
	v23 =	vmul.f32 v23, v2;
	v27 =	vld.idx.msk [tilespmem:v28+s17+$0x0], $0xffff  }
0x2a1: {  	[tilespmem:v18+s12+$0x0] =	vst.idx.add.f32.msk $0xffff, v26;
	v18 =	vmul.f32 v29, v2  }
0x2a2: {  	[tilespmem:v19+s12+$0x0] =	vst.idx.add.f32.msk $0xffff, v25  }
0x2a3: {  	[tilespmem:v13+s12+$0x0] =	vst.idx.add.f32.msk $0xffff, v22  }
0x2a4: {  	v13 =	vadd.s32 $0x4E20, v21;
	[tilespmem:v15+s12+$0x0] =	vst.idx.add.f32.msk $0xffff, v24  }
0x2a5: {  	[tilespmem:v11+s12+$0x0] =	vst.idx.add.f32.msk $0xffff, v23;
	v11 =	vadd.s32 $0x7530, v21  }
0x2a6: {  	[tilespmem:v12+s12+$0x0] =	vst.idx.add.f32.msk $0xffff, v18;
	v12 =	vunpack.i.l.bf16.f32 v27  }
0x2a7: {  	v15 =	vld.idx.msk [tilespmem:v16+s17+$0x0], $0xffff;
	v16 =	vunpack.i.u.bf16.f32 v27;
	v12 =	vmul.f32 v12, v17  }
0x2a8: {  	v14 =	vld.idx.msk [tilespmem:v14+s17+$0x0], $0xffff;
	v16 =	vmul.f32 v16, v17  }
0x2a9: {  	[tilespmem:v13+s12+$0x0] =	vst.idx.add.f32.msk $0xffff, v12  }
0x2aa: {  	s24 =	sadd.s32 $0x40, s24;
	[tilespmem:v11+s12+$0x0] =	vst.idx.add.f32.msk $0xffff, v16  }
0x2ab: {  	v21 =	vld [tilespmem:s24+$0x30]  }
0x2ac: {  	v11 =	vld [tilespmem:s24+$0x10]  }
0x2ad: {  	s25 =	sadd.s32 $0x4, s25;
	v13 =	vunpack.i.u.bf16.f32 v15;
	v15 =	vunpack.i.l.bf16.f32 v15;
	v12 =	vld [tilespmem:s24+$0x20]  }
0x2ae: {  	p0 =	slt.u32 s25, $0xC4;
	v17 =	vmul.f32 v15, v1;
	v15 =	vunpack.i.u.bf16.f32 v14;
	v14 =	vunpack.i.l.bf16.f32 v14;
	v16 =	vld [tilespmem:s24+$0x0]  }
0x2af: {  	v19 =	vmul.f32 v13, v1;
	v1 =	vmov v20;
	v23 =	vmul.f32 v14, v3;
	v22 =	vld [tilespmem:s24+$0xC90]  }
0x2b0: {  	v29 =	vmul.f32 v15, v3;
	v27 =	vld [tilespmem:s24+$0xCA0];
	v28 =	vand.u32 $0xFFFF, v21  }
0x2b1: {  	v20 =	vand.u32 $0xFFFF, v11;
	v13 =	vshrl.u32 v11, $0x10;
	v24 =	vld.idx.msk [tilespmem:v10+s17+$0x0], $0xffff  }
0x2b2: {  	v15 =	vadd.s32 $0x2710, v13;
	v30 =	vand.u32 $0xFFFF, v12;
	v11 =	vshrl.u32 v12, $0x10;
	[tilespmem:v9+s12+$0x0] =	vst.idx.add.f32.msk $0xffff, v17  }
0x2b3: {  	v26 =	vand.u32 $0xFFFF, v16;
	v18 =	vshrl.u32 v16, $0x10;
	v12 =	vadd.s32 $0x2710, v11;
	[tilespmem:v7+s12+$0x0] =	vst.idx.add.f32.msk $0xffff, v19  }
0x2b4: {  	v14 =	vadd.s32 $0x2710, v20;
	v19 =	vadd.s32 $0x2710, v18;
	v16 =	vadd.s32 $0x2710, v26;
	[tilespmem:v8+s12+$0x0] =	vst.idx.add.f32.msk $0xffff, v23;
	v3 =	vmovc v22  }
0x2b5: {  	v10 =	vadd.s32 $0x2710, v30;
	v9 =	vadd.s32 $0x4E20, v18;
	v7 =	vadd.s32 $0x7530, v18;
	v25 =	vld.idx.msk [tilespmem:v28+s17+$0x0], $0xffff  }
0x2b6: {  	v31 =	vadd.s32 $0x7530, v13;
	v32 =	vadd.s32 $0x4E20, v11;
	v8 =	vadd.s32 $0x4E20, v13;
	v22 =	vld.idx.msk [tilespmem:v20+s17+$0x0], $0xffff  }
.Ltmp9:
0x2b7: {  	v20 =	vadd.s32 $0x7530, v11;
	v23 =	vunpack.i.u.bf16.f32 v24;
	v24 =	vunpack.i.l.bf16.f32 v24;
	v17 =	vld [tilespmem:s24+$0xCB0];
	(pc) =	sbr.rel @p0 .LBB2_21-.Ltmp9, $4  }
0x2b8: {  	v33 =	vmul.f32 v24, v2;
	v24 =	vmul.f32 v23, v2;
	v2 =	vmov v27;
	v26 =	vld.idx.msk [tilespmem:v26+s17+$0x0], $0xffff  }
0x2b9: {  	v21 =	vshrl.u32 v21, $0x10;
	v23 =	vld.idx.msk [tilespmem:v30+s17+$0x0], $0xffff  }
0x2ba: {  	v27 =	vadd.s32 $0x2710, v21;
	[tilespmem:v4+s12+$0x0] =	vst.idx.add.f32.msk $0xffff, v29;
	v4 =	vmov v31  }
0x2bb: {  	s26 =	sadd.s32 $0x40, s26;
	v28 =	vadd.s32 $0x2710, v28;
	v29 =	vunpack.i.l.bf16.f32 v25;
	[tilespmem:v5+s12+$0x0] =	vst.idx.add.f32.msk $0xffff, v33;
	v5 =	vmov v32  }
0x2bc: {  	_ =	sdelay $0x1  }
0x2bd: {  	v25 =	vunpack.i.u.bf16.f32 v25;
	v29 =	vmul.f32 v29, v17  }
0x2be: {  	v25 =	vmul.f32 v25, v17  }
0x2bf: {  	v30 =	vunpack.i.l.bf16.f32 v26;
	[tilespmem:v21+s12+$0x0] =	vst.idx.add.f32.msk $0xffff, v29  }
0x2c0: {  	v26 =	vunpack.i.u.bf16.f32 v26;
	v29 =	vmul.f32 v30, v1;
	[tilespmem:v27+s12+$0x0] =	vst.idx.add.f32.msk $0xffff, v25  }
0x2c1: {  	v26 =	vmul.f32 v26, v1;
	v25 =	vunpack.i.l.bf16.f32 v22;
	v27 =	vld.idx.msk [tilespmem:v28+s17+$0x0], $0xffff  }
0x2c2: {  	v25 =	vmul.f32 v25, v3;
	[tilespmem:v18+s12+$0x0] =	vst.idx.add.f32.msk $0xffff, v29  }
0x2c3: {  	v22 =	vunpack.i.u.bf16.f32 v22;
	[tilespmem:v19+s12+$0x0] =	vst.idx.add.f32.msk $0xffff, v26  }
0x2c4: {  	v18 =	vmul.f32 v22, v3;
	v19 =	vunpack.i.l.bf16.f32 v23;
	[tilespmem:v13+s12+$0x0] =	vst.idx.add.f32.msk $0xffff, v25  }
0x2c5: {  	v13 =	vmul.f32 v19, v2;
	v16 =	vld.idx.msk [tilespmem:v16+s17+$0x0], $0xffff  }
0x2c6: {  	[tilespmem:v15+s12+$0x0] =	vst.idx.add.f32.msk $0xffff, v18;
	v15 =	vunpack.i.u.bf16.f32 v23  }
0x2c7: {  	v18 =	vadd.s32 $0x4E20, v21;
	v15 =	vmul.f32 v15, v2;
	[tilespmem:v11+s12+$0x0] =	vst.idx.add.f32.msk $0xffff, v13  }
0x2c8: {  	v11 =	vadd.s32 $0x7530, v21;
	v13 =	vld.idx.msk [tilespmem:v14+s17+$0x0], $0xffff  }
0x2c9: {  	[tilespmem:v12+s12+$0x0] =	vst.idx.add.f32.msk $0xffff, v15;
	v12 =	vunpack.i.l.bf16.f32 v27  }
0x2ca: {  	s23 =	sadd.s32 s23, s7;
	v14 =	vunpack.i.u.bf16.f32 v27;
	v12 =	vmul.f32 v12, v17;
	v10 =	vld.idx.msk [tilespmem:v10+s17+$0x0], $0xffff  }
0x2cb: {  	[tilespmem:v6+s12+$0x0] =	vst.idx.add.f32.msk $0xffff, v24;
	s24 =	smulhi.u32 $0x51EB851F, s23;
	v6 =	vmul.f32 v14, v17;
	v14 =	vunpack.i.l.bf16.f32 v16  }
0x2cc: {  	v14 =	vmul.f32 v14, v1;
	[tilespmem:v18+s12+$0x0] =	vst.idx.add.f32.msk $0xffff, v12;
	v12 =	vunpack.i.u.bf16.f32 v16  }
0x2cd: {  	s24 =	sshrl.u32 s24, $0x5;
	[tilespmem:v11+s12+$0x0] =	vst.idx.add.f32.msk $0xffff, v6;
	v6 =	vunpack.i.l.bf16.f32 v13;
	v1 =	vmul.f32 v12, v1  }
0x2ce: {  	s24 =	smul.u32 $0x64, s24;
	v11 =	vunpack.i.u.bf16.f32 v13;
	[tilespmem:v9+s12+$0x0] =	vst.idx.add.f32.msk $0xffff, v14;
	v6 =	vmul.f32 v6, v3  }
0x2cf: {  	v3 =	vmul.f32 v11, v3;
	[tilespmem:v7+s12+$0x0] =	vst.idx.add.f32.msk $0xffff, v1;
	v1 =	vunpack.i.l.bf16.f32 v10  }
0x2d0: {  	s23 =	ssub.s32 s23, s24;
	[tilespmem:v8+s12+$0x0] =	vst.idx.add.f32.msk $0xffff, v6;
	v6 =	vunpack.i.u.bf16.f32 v10;
	v1 =	vmul.f32 v1, v2  }
0x2d1: {  	s24 =	sshrl.u32 s23, $0x3;
	v2 =	vmul.f32 v6, v2;
	[tilespmem:v4+s12+$0x0] =	vst.idx.add.f32.msk $0xffff, v3  }
0x2d2: {  	s23 =	sshll.u32 s23, $0x7;
	s24 =	smul.u32 $0xC800, s24;
	[tilespmem:v5+s12+$0x0] =	vst.idx.add.f32.msk $0xffff, v1  }
0x2d3: {  	s23 =	sand.u32 $0x380, s23;
	[tilespmem:v20+s12+$0x0] =	vst.idx.add.f32.msk $0xffff, v2  }
0x2d4: {  	s23 =	sor.u32 s23, s24;
	_ =	swait.ge [sflag:s19], $0x1900  }
0x2d5: {  	s23 =	sshrl.u32 s23, $0x3;
	[sflag:s19] =	ssyncset.done $0x0  }
0x2d6: {  	s29 =	simm.s32 $0x1A100;
	s23 =	sadd.s32 s2, s23;
	[sflag:s19] =	ssyncadd.s32 $0xFFFFE700  }
0x2d7: {  	[tilespmem:s14], [sflag:$0x1] =	stream.strided.gather [hbm4b:s23+s10], $0x1900, s11, s10, $0x38;
	[tilespmem:$0x1BA00] =	vst v63  }
0x2d8: {  	v1 =	vld [tilespmem:s29+$0x30]  }
0x2d9: {  	v2 =	vld [tilespmem:s29+$0x0];
	_ =	sdelay $0x2  }
0x2da: {  	v3 =	vld [tilespmem:s29+$0x10]  }
0x2db: {  	v5 =	vld [tilespmem:s29+$0x20];
	v4 =	vand.u32 $0xFFFF, v1  }
0x2dc: {  	s30 =	simm.s32 $0x0;
	v6 =	vand.u32 $0xFFFF, v2  }
0x2dd: {  	s24 =	sand.u32 $0xFC0, s30  }
0x2de: {  	v7 =	vld [tilespmem:s24+$0x1AD80]  }
0x2df: {  	v11 =	vld [tilespmem:s29+$0xCB0];
	v8 =	vand.u32 $0xFFFF, v3  }
0x2e0: {  	v10 =	vand.u32 $0xFFFF, v5;
	v9 =	vld.idx.msk [tilespmem:v4+s17+$0x0], $0xffff  }
0x2e1: {  	v13 =	vld.idx.msk [tilespmem:v6+s17+$0x0], $0xffff  }
0x2e2: {  	v12 =	vld [tilespmem:s29+$0xC90]  }
0x2e3: {  	v21 =	vld [tilespmem:s29+$0xCA0];
	v14 =	vshrl.u32 v1, $0x10  }
0x2e4: {  	s31 =	simm.s32 $0x40;
	v2 =	vshrl.u32 v2, $0x10;
	v16 =	vld.idx.msk [tilespmem:v8+s17+$0x0], $0xffff  }
0x2e5: {  	s23 =	sand.u32 $0xFC0, s31;
	v15 =	vadd.s32 $0x2710, v14;
	v17 =	vld.idx.msk [tilespmem:v10+s17+$0x0], $0xffff;
	v1 =	vunpack.i.l.bf16.f32 v9  }
0x2e6: {  	v19 =	vadd.s32 $0x2710, v2;
	v20 =	vunpack.i.l.bf16.f32 v13;
	v18 =	vmul.f32 v1, v11;
	v1 =	vld [tilespmem:s23+$0x1AD80];
	s23 =	simm.s32 $0x1A140  }
0x2e7: {  	v4 =	vadd.s32 $0x2710, v4;
	v9 =	vunpack.i.u.bf16.f32 v9;
	v20 =	vmul.f32 v20, v7;
	v27 =	vld [tilespmem:s23+$0x30]  }
0x2e8: {  	v6 =	vadd.s32 $0x2710, v6;
	v13 =	vunpack.i.u.bf16.f32 v13;
	v9 =	vmul.f32 v9, v11;
	[tilespmem:v14+s12+$0x0] =	vst.idx.add.f32.msk $0xffff, v18  }
0x2e9: {  	v5 =	vshrl.u32 v5, $0x10;
	v13 =	vmul.f32 v13, v7;
	[tilespmem:v2+s12+$0x0] =	vst.idx.add.f32.msk $0xffff, v20  }
0x2ea: {  	v3 =	vshrl.u32 v3, $0x10;
	[tilespmem:v15+s12+$0x0] =	vst.idx.add.f32.msk $0xffff, v9  }
0x2eb: {  	v18 =	vadd.s32 $0x2710, v3;
	v20 =	vunpack.i.l.bf16.f32 v17;
	v9 =	vunpack.i.l.bf16.f32 v16;
	[tilespmem:v19+s12+$0x0] =	vst.idx.add.f32.msk $0xffff, v13  }
0x2ec: {  	v15 =	vadd.s32 $0x2710, v5;
	v13 =	vunpack.i.u.bf16.f32 v17;
	v17 =	vmul.f32 v20, v21;
	v4 =	vld.idx.msk [tilespmem:v4+s17+$0x0], $0xffff  }
0x2ed: {  	v8 =	vadd.s32 $0x2710, v8;
	v16 =	vunpack.i.u.bf16.f32 v16;
	v9 =	vmul.f32 v9, v12;
	v6 =	vld.idx.msk [tilespmem:v6+s17+$0x0], $0xffff  }
0x2ee: {  	v16 =	vmul.f32 v16, v12;
	[tilespmem:v5+s12+$0x0] =	vst.idx.add.f32.msk $0xffff, v17  }
0x2ef: {  	[tilespmem:v3+s12+$0x0] =	vst.idx.add.f32.msk $0xffff, v9;
	v9 =	vmul.f32 v13, v21;
	v13 =	vadd.s32 $0x4E20, v14  }
0x2f0: {  	[tilespmem:v18+s12+$0x0] =	vst.idx.add.f32.msk $0xffff, v16  }
0x2f1: {  	v14 =	vadd.s32 $0x7530, v14;
	[tilespmem:v15+s12+$0x0] =	vst.idx.add.f32.msk $0xffff, v9;
	v9 =	vunpack.i.l.bf16.f32 v4  }
0x2f2: {  	v8 =	vld.idx.msk [tilespmem:v8+s17+$0x0], $0xffff;
	v4 =	vunpack.i.u.bf16.f32 v4;
	v9 =	vmul.f32 v9, v11  }
0x2f3: {  	v30 =	vand.u32 $0xFFFF, v27;
	v4 =	vmul.f32 v4, v11;
	v11 =	vld [tilespmem:s23+$0x20]  }
0x2f4: {  	[tilespmem:v13+s12+$0x0] =	vst.idx.add.f32.msk $0xffff, v9  }
0x2f5: {  	v15 =	vadd.s32 $0x4E20, v3;
	v9 =	vld [tilespmem:s23+$0x10]  }
0x2f6: {  	[tilespmem:v14+s12+$0x0] =	vst.idx.add.f32.msk $0xffff, v4  }
0x2f7: {  	v4 =	vadd.s32 $0x2710, v10;
	v14 =	vld [tilespmem:s23+$0x0];
	v17 =	vunpack.i.l.bf16.f32 v8  }
0x2f8: {  	v28 =	vadd.s32 $0x7530, v3;
	v25 =	vld.idx.msk [tilespmem:v30+s17+$0x0], $0xffff;
	v17 =	vmul.f32 v17, v12  }
0x2f9: {  	v3 =	vld [tilespmem:s23+$0xC90];
	v13 =	vadd.s32 $0x7530, v2;
	v10 =	vadd.s32 $0x4E20, v2;
	v2 =	vunpack.i.l.bf16.f32 v6  }
0x2fa: {  	v6 =	vunpack.i.u.bf16.f32 v6;
	v8 =	vunpack.i.u.bf16.f32 v8;
	v16 =	vmul.f32 v2, v7;
	[tilespmem:v15+s12+$0x0] =	vst.idx.add.f32.msk $0xffff, v17  }
0x2fb: {  	v6 =	vmul.f32 v6, v7;
	v29 =	vmul.f32 v8, v12;
	v17 =	vld [tilespmem:s23+$0xCB0];
	v7 =	vand.u32 $0xFFFF, v9  }
0x2fc: {  	v24 =	vand.u32 $0xFFFF, v11;
	v11 =	vshrl.u32 v11, $0x10;
	v20 =	vld.idx.msk [tilespmem:v4+s17+$0x0], $0xffff;
	v23 =	vand.u32 $0xFFFF, v14  }
0x2fd: {  	v31 =	vadd.s32 $0x4E20, v5;
	v12 =	vadd.s32 $0x2710, v11;
	[tilespmem:v28+s12+$0x0] =	vst.idx.add.f32.msk $0xffff, v29;
	v29 =	vunpack.i.l.bf16.f32 v25  }
0x2fe: {  	v28 =	vadd.s32 $0x2710, v30;
	[tilespmem:v10+s12+$0x0] =	vst.idx.add.f32.msk $0xffff, v16;
	v4 =	vadd.s32 $0x7530, v5;
	v18 =	vshrl.u32 v14, $0x10  }
0x2ff: {  	v14 =	vadd.s32 $0x2710, v7;
	v10 =	vadd.s32 $0x2710, v24;
	[tilespmem:v13+s12+$0x0] =	vst.idx.add.f32.msk $0xffff, v6;
	v13 =	vshrl.u32 v9, $0x10  }
0x300: {  	v19 =	vadd.s32 $0x2710, v18;
	v16 =	vadd.s32 $0x2710, v23;
	v9 =	vadd.s32 $0x4E20, v18;
	v22 =	vld.idx.msk [tilespmem:v7+s17+$0x0], $0xffff  }
0x301: {  	v6 =	vadd.s32 $0x4E20, v11;
	v32 =	vunpack.i.l.bf16.f32 v20;
	v26 =	vld.idx.msk [tilespmem:v23+s17+$0x0], $0xffff;
	v33 =	vunpack.i.u.bf16.f32 v20  }
0x302: {  	v23 =	vld.idx.msk [tilespmem:v24+s17+$0x0], $0xffff;
	v32 =	vmul.f32 v32, v21;
	v24 =	vmul.f32 v33, v21;
	v21 =	vshrl.u32 v27, $0x10  }
0x303: {  	v2 =	vld [tilespmem:s23+$0xCA0];
	v15 =	vadd.s32 $0x2710, v13;
	v8 =	vadd.s32 $0x4E20, v13;
	v27 =	vadd.s32 $0x2710, v21  }
0x304: {  	s25 =	simm.s32 $0x80;
	s24 =	simm.s32 $0x4;
	v5 =	vadd.s32 $0x7530, v13;
	v7 =	vadd.s32 $0x7530, v18;
	v20 =	vadd.s32 $0x7530, v11;
	[tilespmem:v31+s12+$0x0] =	vst.idx.add.f32.msk $0xffff, v32  }
.LBB2_23:
0x305: {  	s26 =	sand.u32 $0xFC0, s25;
	v30 =	vunpack.i.u.bf16.f32 v22;
	v25 =	vunpack.i.u.bf16.f32 v25;
	v29 =	vmul.f32 v29, v17;
	[tilespmem:v4+s12+$0x0] =	vst.idx.add.f32.msk $0xffff, v24;
	v4 =	vmovc v20  }
0x306: {  	v22 =	vunpack.i.l.bf16.f32 v22;
	v20 =	vld [tilespmem:s26+$0x1AD80];
	v24 =	vmul.f32 v30, v3;
	v25 =	vmul.f32 v25, v17  }
0x307: {  	v30 =	vunpack.i.u.bf16.f32 v26;
	v26 =	vunpack.i.l.bf16.f32 v26;
	v22 =	vmul.f32 v22, v3;
	[tilespmem:v21+s12+$0x0] =	vst.idx.add.f32.msk $0xffff, v29  }
0x308: {  	v26 =	vmul.f32 v26, v1;
	v29 =	vunpack.i.u.bf16.f32 v23;
	v23 =	vunpack.i.l.bf16.f32 v23;
	[tilespmem:v27+s12+$0x0] =	vst.idx.add.f32.msk $0xffff, v25  }
0x309: {  	v25 =	vmul.f32 v30, v1;
	v23 =	vmul.f32 v23, v2;
	v27 =	vld.idx.msk [tilespmem:v28+s17+$0x0], $0xffff  }
0x30a: {  	[tilespmem:v18+s12+$0x0] =	vst.idx.add.f32.msk $0xffff, v26;
	v18 =	vmul.f32 v29, v2  }
0x30b: {  	[tilespmem:v19+s12+$0x0] =	vst.idx.add.f32.msk $0xffff, v25  }
0x30c: {  	[tilespmem:v13+s12+$0x0] =	vst.idx.add.f32.msk $0xffff, v22  }
0x30d: {  	v13 =	vadd.s32 $0x4E20, v21;
	[tilespmem:v15+s12+$0x0] =	vst.idx.add.f32.msk $0xffff, v24  }
0x30e: {  	[tilespmem:v11+s12+$0x0] =	vst.idx.add.f32.msk $0xffff, v23;
	v11 =	vadd.s32 $0x7530, v21  }
0x30f: {  	[tilespmem:v12+s12+$0x0] =	vst.idx.add.f32.msk $0xffff, v18;
	v12 =	vunpack.i.l.bf16.f32 v27  }
0x310: {  	v15 =	vld.idx.msk [tilespmem:v16+s17+$0x0], $0xffff;
	v16 =	vunpack.i.u.bf16.f32 v27;
	v12 =	vmul.f32 v12, v17  }
0x311: {  	v14 =	vld.idx.msk [tilespmem:v14+s17+$0x0], $0xffff;
	v16 =	vmul.f32 v16, v17  }
0x312: {  	[tilespmem:v13+s12+$0x0] =	vst.idx.add.f32.msk $0xffff, v12  }
0x313: {  	s23 =	sadd.s32 $0x40, s23;
	[tilespmem:v11+s12+$0x0] =	vst.idx.add.f32.msk $0xffff, v16  }
0x314: {  	v21 =	vld [tilespmem:s23+$0x30]  }
0x315: {  	v11 =	vld [tilespmem:s23+$0x10]  }
0x316: {  	s24 =	sadd.s32 $0x4, s24;
	v13 =	vunpack.i.u.bf16.f32 v15;
	v15 =	vunpack.i.l.bf16.f32 v15;
	v12 =	vld [tilespmem:s23+$0x20]  }
0x317: {  	p0 =	slt.u32 s24, $0xC4;
	v17 =	vmul.f32 v15, v1;
	v15 =	vunpack.i.u.bf16.f32 v14;
	v14 =	vunpack.i.l.bf16.f32 v14;
	v16 =	vld [tilespmem:s23+$0x0]  }
0x318: {  	v19 =	vmul.f32 v13, v1;
	v1 =	vmov v20;
	v23 =	vmul.f32 v14, v3;
	v22 =	vld [tilespmem:s23+$0xC90]  }
0x319: {  	v29 =	vmul.f32 v15, v3;
	v27 =	vld [tilespmem:s23+$0xCA0];
	v28 =	vand.u32 $0xFFFF, v21  }
0x31a: {  	v20 =	vand.u32 $0xFFFF, v11;
	v13 =	vshrl.u32 v11, $0x10;
	v24 =	vld.idx.msk [tilespmem:v10+s17+$0x0], $0xffff  }
0x31b: {  	v15 =	vadd.s32 $0x2710, v13;
	v30 =	vand.u32 $0xFFFF, v12;
	v11 =	vshrl.u32 v12, $0x10;
	[tilespmem:v9+s12+$0x0] =	vst.idx.add.f32.msk $0xffff, v17  }
0x31c: {  	v26 =	vand.u32 $0xFFFF, v16;
	v18 =	vshrl.u32 v16, $0x10;
	v12 =	vadd.s32 $0x2710, v11;
	[tilespmem:v7+s12+$0x0] =	vst.idx.add.f32.msk $0xffff, v19  }
0x31d: {  	v14 =	vadd.s32 $0x2710, v20;
	v19 =	vadd.s32 $0x2710, v18;
	v16 =	vadd.s32 $0x2710, v26;
	[tilespmem:v8+s12+$0x0] =	vst.idx.add.f32.msk $0xffff, v23;
	v3 =	vmovc v22  }
0x31e: {  	v10 =	vadd.s32 $0x2710, v30;
	v9 =	vadd.s32 $0x4E20, v18;
	v7 =	vadd.s32 $0x7530, v18;
	v25 =	vld.idx.msk [tilespmem:v28+s17+$0x0], $0xffff  }
0x31f: {  	v31 =	vadd.s32 $0x7530, v13;
	v32 =	vadd.s32 $0x4E20, v11;
	v8 =	vadd.s32 $0x4E20, v13;
	v22 =	vld.idx.msk [tilespmem:v20+s17+$0x0], $0xffff  }
.Ltmp10:
0x320: {  	v20 =	vadd.s32 $0x7530, v11;
	v23 =	vunpack.i.u.bf16.f32 v24;
	v24 =	vunpack.i.l.bf16.f32 v24;
	v17 =	vld [tilespmem:s23+$0xCB0];
	(pc) =	sbr.rel @p0 .LBB2_23-.Ltmp10, $4  }
0x321: {  	v33 =	vmul.f32 v24, v2;
	v24 =	vmul.f32 v23, v2;
	v2 =	vmov v27;
	v26 =	vld.idx.msk [tilespmem:v26+s17+$0x0], $0xffff  }
0x322: {  	v21 =	vshrl.u32 v21, $0x10;
	v23 =	vld.idx.msk [tilespmem:v30+s17+$0x0], $0xffff  }
0x323: {  	v27 =	vadd.s32 $0x2710, v21;
	[tilespmem:v5+s12+$0x0] =	vst.idx.add.f32.msk $0xffff, v29;
	v5 =	vmov v31  }
0x324: {  	s25 =	sadd.s32 $0x40, s25;
	v28 =	vadd.s32 $0x2710, v28;
	v29 =	vunpack.i.l.bf16.f32 v25;
	[tilespmem:v6+s12+$0x0] =	vst.idx.add.f32.msk $0xffff, v33;
	v6 =	vmov v32  }
0x325: {  	_ =	sdelay $0x1  }
0x326: {  	v25 =	vunpack.i.u.bf16.f32 v25;
	v29 =	vmul.f32 v29, v17  }
0x327: {  	v25 =	vmul.f32 v25, v17  }
0x328: {  	v30 =	vunpack.i.l.bf16.f32 v26;
	[tilespmem:v21+s12+$0x0] =	vst.idx.add.f32.msk $0xffff, v29  }
0x329: {  	v45 =	vunpack.i.u.bf16.f32 v26;
	v46 =	vmul.f32 v30, v1;
	[tilespmem:v27+s12+$0x0] =	vst.idx.add.f32.msk $0xffff, v25  }
0x32a: {  	v47 =	vunpack.i.l.bf16.f32 v22;
	v26 =	vmul.f32 v45, v1;
	v27 =	vld.idx.msk [tilespmem:v28+s17+$0x0], $0xffff  }
0x32b: {  	v50 =	vunpack.i.l.bf16.f32 v23;
	v25 =	vmul.f32 v47, v3;
	[tilespmem:v18+s12+$0x0] =	vst.idx.add.f32.msk $0xffff, v46  }
0x32c: {  	v51 =	vmul.f32 v50, v2;
	[tilespmem:v19+s12+$0x0] =	vst.idx.add.f32.msk $0xffff, v26  }
0x32d: {  	v48 =	vunpack.i.u.bf16.f32 v22;
	[tilespmem:v13+s12+$0x0] =	vst.idx.add.f32.msk $0xffff, v25  }
0x32e: {  	v49 =	vmul.f32 v48, v3;
	[tilespmem:v11+s12+$0x0] =	vst.idx.add.f32.msk $0xffff, v51  }
0x32f: {  	v52 =	vunpack.i.u.bf16.f32 v23;
	v16 =	vld.idx.msk [tilespmem:v16+s17+$0x0], $0xffff  }
0x330: {  	v53 =	vadd.s32 $0x4E20, v21;
	[tilespmem:v15+s12+$0x0] =	vst.idx.add.f32.msk $0xffff, v49;
	v15 =	vmul.f32 v52, v2  }
0x331: {  	v54 =	vadd.s32 $0x7530, v21;
	v55 =	vld.idx.msk [tilespmem:v14+s17+$0x0], $0xffff  }
0x332: {  	[tilespmem:v12+s12+$0x0] =	vst.idx.add.f32.msk $0xffff, v15;
	v56 =	vunpack.i.l.bf16.f32 v27  }
0x333: {  	v57 =	vunpack.i.u.bf16.f32 v27;
	v10 =	vld.idx.msk [tilespmem:v10+s17+$0x0], $0xffff;
	v12 =	vmul.f32 v56, v17  }
0x334: {  	[tilespmem:v4+s12+$0x0] =	vst.idx.add.f32.msk $0xffff, v24;
	v58 =	vmul.f32 v57, v17;
	v59 =	vunpack.i.l.bf16.f32 v16  }
0x335: {  	v60 =	vunpack.i.u.bf16.f32 v16;
	[tilespmem:v53+s12+$0x0] =	vst.idx.add.f32.msk $0xffff, v12;
	v14 =	vmul.f32 v59, v1  }
0x336: {  	s22 =	sadd.s32 $0x1, s22;
	v61 =	vunpack.i.l.bf16.f32 v55;
	v1 =	vmul.f32 v60, v1;
	[tilespmem:v54+s12+$0x0] =	vst.idx.add.f32.msk $0xffff, v58  }
0x337: {  	p0 =	sne.s32 s22, $0x32;
	v62 =	vunpack.i.u.bf16.f32 v55;
	v4 =	vmul.f32 v61, v3;
	[tilespmem:v9+s12+$0x0] =	vst.idx.add.f32.msk $0xffff, v14  }
.Ltmp11:
0x338: {  	v3 =	vmul.f32 v62, v3;
	[tilespmem:v7+s12+$0x0] =	vst.idx.add.f32.msk $0xffff, v1;
	v1 =	vunpack.i.l.bf16.f32 v10;
	(pc) =	sbr.rel @p0 .LBB2_20-.Ltmp11, $4  }
0x339: {  	v63 =	vunpack.i.u.bf16.f32 v10;
	[tilespmem:v8+s12+$0x0] =	vst.idx.add.f32.msk $0xffff, v4;
	v1 =	vmul.f32 v1, v2  }
0x33a: {  	v2 =	vmul.f32 v63, v2;
	[tilespmem:v5+s12+$0x0] =	vst.idx.add.f32.msk $0xffff, v3  }
0x33b: {  	[tilespmem:v6+s12+$0x0] =	vst.idx.add.f32.msk $0xffff, v1  }
0x33c: {  	[tilespmem:v20+s12+$0x0] =	vst.idx.add.f32.msk $0xffff, v2  }
0x33d: {  	_ =	swait.ge [sflag:s15], $0x1900;
	s20 =	sadd.s32 $0x1, s20  }
0x33e: {  	[sflag:s15] =	ssyncset.done $0x0;
	p0 =	sne.s32 s20, s9  }
.Ltmp12:
0x33f: {  	[sflag:s15] =	ssyncadd.s32 $0xFFFFE700;
	(pc) =	sbr.rel @p0 .LBB2_1-.Ltmp12, $4  }
0x340: {  	[hbm4b:s8+s10] =	stream.strided.scatter [tilespmem:s12], [sflag:$0x3], $0x9C80, s11, s10, $0x38;
	[tilespmem:$0x1BA00] =	vst v63  }
0x341: {  	_ =	swait.ge [sflag:s13], $0x9C80  }
0x342: {  	[sflag:s13] =	ssyncset.done $0x0  }
0x343: {  	[sflag:s13] =	ssyncadd.s32 $0xFFFF6380  }
0x344: {  	_ =	sfence.sel $0x180000  }
0x345: {  	[bflag:$0x0] =	sbarrier.arrive $0xFFFF  }
0x346: {  	p0 =	sne.s32 s0, $0x0;
	_ =	strace $0x90000047  }
0x347: {  	s0 =	sadd.s32 @!p0 $0x100000, s1;
	[bflag:$0x2] =	sbarrier.arrive $0xFFFF  }
0x348: {  	[sflag:s0] =	ssyncadd.tile.s32 @!p0 $0x1;
	_ =	shalt  }
.Lfunc_end2:
_tile_overlayer_lowered:
.L_overlay_start_2:
0x349: {  	(tag) =	ssettag $0x2  }
0x34a: {  	s0 =	rddreg [dreg:$0x0];
	s2 =	stileid.u32  }
0x34b: {  	s1 =	rddreg [dreg:$0x1];
	p0 =	sne.s32 s2, $0x0  }
0x34c: {  	s3 =	rddreg [dreg:$0x2];
	[bflag:$0x3] =	sbarrier.arrive $0xFFFF;
	s2 =	simm.s32 @!p0 $0x1C03  }
0x34d: {  	[timem:s3], [sflag:s2] =	dma.local @!p0 [hbm:s0], s1  }
0x34e: {  	s0 =	simm.s32 @!p0 $0x3  }
0x34f: {  	_ =	swait.ge @!p0 [sflag:s0], s1  }
0x350: {  	s1 =	ssub.s32 @!p0 $0x0, s1;
	[sflag:s0] =	ssyncset.done @!p0 $0x0  }
0x351: {  	[sflag:s0] =	ssyncadd.s32 @!p0 s1  }
0x352: {  	[bflag:$0x3] =	sbarrier.arrive $0xFFFF  }
0x353: {  	_ =	shalt  }

</sc_bundles>
